<compile_context>
chip_gen: v7x
topology: tpu7x:2x2x1
jax: 0.10.2.dev20260603
libtpu: 0.0.44.dev20260713+nightly
codegen_flags: <defaults>
</compile_context>

<pallas_src>
import functools

import jax
import jax.numpy as jnp
from jax import lax
from jax.experimental import pallas as pl
from jax.experimental.pallas import tpu as pltpu
from jax.experimental.pallas import tpu_sc as plsc

NC = 2
NS = 16
NW = NC * NS

CHUNK = 128
K = 2
GROUP = K * CHUNK
R = 4


def _gather_body(n_groups, dim, idx_hbm, table_hbm, out_hbm,
                 idx_v, buf, g0, g1, g2, g3, o0, o1, o2, o3):
    gsem = [g0, g1, g2, g3]
    osem = [o0, o1, o2, o3]
    c = lax.axis_index("c")
    s = lax.axis_index("s")
    wid = s * NC + c

    pltpu.sync_copy(idx_hbm.at[wid], idx_v)

    def fire_gather(g, slot):
        for ch in range(K):
            pltpu.async_copy(
                table_hbm.at[idx_v.at[g * K + ch]],
                buf.at[slot, pl.ds(ch * CHUNK, CHUNK)],
                gsem[slot],
            )

    def wait_gather(slot):
        pltpu.make_async_copy(
            table_hbm.at[pl.ds(0, GROUP)], buf.at[slot], gsem[slot]
        ).wait()

    def fire_out(g, slot):
        pltpu.async_copy(buf.at[slot], out_hbm.at[wid, g], osem[slot])

    def wait_out(slot):
        pltpu.make_async_copy(
            buf.at[slot], out_hbm.at[wid, 0], osem[slot]
        ).wait()

    fire_gather(0, 0)
    fire_gather(1, 1)

    p_iters = n_groups // R

    def block(t, carry):
        for j in range(R):
            g = t * R + j
            s2 = (j + 2) % R
            if j < 2:
                @pl.when(t > 0)
                def _():
                    wait_out(s2)
                fire_gather(g + 2, s2)
            else:
                wait_out(s2)

                @pl.when(t < p_iters - 1)
                def _():
                    fire_gather(g + 2, s2)
            wait_gather(j)
            fire_out(g, j)
        return carry

    lax.fori_loop(0, p_iters, block, 0)
    wait_out(2)
    wait_out(3)


@jax.jit
def kernel(inputs, table):
    batch, hist = inputs.shape
    num_emb, dim = table.shape
    total = batch * hist
    assert total % (NW * GROUP) == 0
    n_groups = total // (NW * GROUP)
    assert n_groups % R == 0
    n_chunks = n_groups * K

    idx = inputs.reshape(NW, n_chunks, CHUNK).astype(jnp.int32)

    mesh = plsc.VectorSubcoreMesh(core_axis_name="c", subcore_axis_name="s")
    out = pl.kernel(
        functools.partial(_gather_body, n_groups, dim),
        out_type=jax.ShapeDtypeStruct((NW, n_groups, GROUP, dim), jnp.float32),
        mesh=mesh,
        scratch_types=[
            pltpu.VMEM((n_chunks, CHUNK), jnp.int32),
            pltpu.VMEM((R, GROUP, dim), jnp.float32),
        ] + [pltpu.SemaphoreType.DMA] * (2 * R),
        compiler_params=pltpu.CompilerParams(use_tc_tiling_on_sc=False),
    )(idx, table)

    return out.reshape(batch, hist, dim)

# --- scband reference (transcript-rebuilt; emitter-appended) ---
"""Pipeline reference for scband-embedding-representation-20736102105789 (READ-ONLY COPY).

The authoritative reference and input builder live on the scoring server;
editing this copy changes nothing except your own understanding.
"""

import jax, jax.numpy as jnp
import numpy as np

NUM_EMBEDDINGS = 1000000
EMBEDDING_DIM = 64
BATCH = 16384
HIST = 50

def setup_inputs(seed: int = 0) -> dict:
    key = jax.random.key(seed)
    k_idx, k_tab = jax.random.split(key)
    inputs = jax.random.randint(k_idx, (BATCH, HIST), 0, NUM_EMBEDDINGS, dtype=jnp.int64 if jax.config.jax_enable_x64 else jnp.int32)
    table = jax.random.normal(k_tab, (NUM_EMBEDDINGS, EMBEDDING_DIM), dtype=jnp.float32)
    return {"inputs": inputs, "table": table}

def reference(inputs, table):
    # nn.Embedding forward: row gather from the embedding table
    return jnp.take(table, inputs, axis=0)

if __name__ == "__main__":
    import jax
    _d = setup_inputs()
    print(jax.jit(kernel)(*tuple(_d.values())))

</pallas_src>

<mosaic_0001>
#map = affine_map<(d0, d1) -> (0, 0, 0)>
#map1 = affine_map<(d0, d1) -> (0, 0)>
#map2 = affine_map<(d0, d1) -> (0, 0, 0, 0)>
module attributes {stable_mosaic.version = 14 : i64} {
  func.func @_gather_body(%arg0: i32, %arg1: i32, %arg2: memref<32x200x128xi32, #tpu.memory_space<hbm>>, %arg3: memref<1000000x64xf32, #tpu.memory_space<hbm>>, %arg4: memref<32x100x256x64xf32, #tpu.memory_space<hbm>>, %arg5: memref<200x128xi32, #tpu.memory_space<vmem>>, %arg6: memref<4x256x64xf32, #tpu.memory_space<vmem>>, %arg7: memref<!tpu.dma_semaphore, #tpu.memory_space<semaphore_mem>>, %arg8: memref<!tpu.dma_semaphore, #tpu.memory_space<semaphore_mem>>, %arg9: memref<!tpu.dma_semaphore, #tpu.memory_space<semaphore_mem>>, %arg10: memref<!tpu.dma_semaphore, #tpu.memory_space<semaphore_mem>>, %arg11: memref<!tpu.dma_semaphore, #tpu.memory_space<semaphore_mem>>, %arg12: memref<!tpu.dma_semaphore, #tpu.memory_space<semaphore_mem>>, %arg13: memref<!tpu.dma_semaphore, #tpu.memory_space<semaphore_mem>>, %arg14: memref<!tpu.dma_semaphore, #tpu.memory_space<semaphore_mem>>) attributes {dimension_semantics = [#tpu.dimension_semantics<core_parallel>, #tpu.dimension_semantics<subcore_parallel>], iteration_bounds = array<i64: 2, 16>, scalar_prefetch = 0 : i64, scratch_operands = 10 : i64, tpu.core_type = #tpu.core_type<sc_vector_subcore>, window_params = [{transform_indices = #map}, {transform_indices = #map1}, {transform_indices = #map2}]} {
    %mul3A = arith.constant 2 : i32
    %mul3A_0 = arith.muli %arg1, %mul3A : i32
    %add3A = arith.addi %mul3A_0, %arg0 : i32
    "tpu.region"() ({
      %run_scoped3A = tpu.sem_alloc : memref<!tpu.dma_semaphore, #tpu.memory_space<semaphore_mem>>
      %dma_start3A_88 = arith.constant 0 : i32
      %dma_start3A_89 = arith.constant 0 : i32
      %dma_start3A_90 = tpu.memref_slice %arg2[%add3A, %dma_start3A_88, %dma_start3A_89] : memref<32x200x128xi32, #tpu.memory_space<hbm>> -> memref<1x200x128xi32, #tpu.memory_space<hbm>>
      %dma_start3A_91 = tpu.memref_squeeze %dma_start3A_90 : memref<1x200x128xi32, #tpu.memory_space<hbm>> -> memref<200x128xi32, #tpu.memory_space<hbm>>
      %dma_start3A_92 = arith.constant 0 : i32
      %dma_start3A_93 = arith.constant 0 : i32
      %dma_start3A_94 = tpu.memref_slice %arg2[%add3A, %dma_start3A_92, %dma_start3A_93] : memref<32x200x128xi32, #tpu.memory_space<hbm>> -> memref<1x200x128xi32, #tpu.memory_space<hbm>>
      %dma_start3A_95 = tpu.memref_squeeze %dma_start3A_94 : memref<1x200x128xi32, #tpu.memory_space<hbm>> -> memref<200x128xi32, #tpu.memory_space<hbm>>
      tpu.enqueue_dma source(%dma_start3A_95 : memref<200x128xi32, #tpu.memory_space<hbm>>) target(%arg5 : memref<200x128xi32, #tpu.memory_space<vmem>>) target_semaphore(%run_scoped3A : memref<!tpu.dma_semaphore, #tpu.memory_space<semaphore_mem>>)
      %dma_wait3A_96 = arith.constant 0 : i32
      %dma_wait3A_97 = arith.constant 0 : i32
      %dma_wait3A_98 = tpu.memref_slice %arg2[%add3A, %dma_wait3A_96, %dma_wait3A_97] : memref<32x200x128xi32, #tpu.memory_space<hbm>> -> memref<1x200x128xi32, #tpu.memory_space<hbm>>
      %dma_wait3A_99 = tpu.memref_squeeze %dma_wait3A_98 : memref<1x200x128xi32, #tpu.memory_space<hbm>> -> memref<200x128xi32, #tpu.memory_space<hbm>>
      %dma_wait3A_100 = arith.constant 0 : i32
      %dma_wait3A_101 = arith.constant 0 : i32
      %dma_wait3A_102 = tpu.memref_slice %arg2[%add3A, %dma_wait3A_100, %dma_wait3A_101] : memref<32x200x128xi32, #tpu.memory_space<hbm>> -> memref<1x200x128xi32, #tpu.memory_space<hbm>>
      %dma_wait3A_103 = tpu.memref_squeeze %dma_wait3A_102 : memref<1x200x128xi32, #tpu.memory_space<hbm>> -> memref<200x128xi32, #tpu.memory_space<hbm>>
      tpu.wait_dma2 semaphore(%run_scoped3A : memref<!tpu.dma_semaphore, #tpu.memory_space<semaphore_mem>>) src(%dma_wait3A_103 : memref<200x128xi32, #tpu.memory_space<hbm>>) dst(%arg5 : memref<200x128xi32, #tpu.memory_space<vmem>>)
      tpu.yield
    }) : () -> ()
    %dma_start3A = arith.constant 0 : i32
    %dma_start3A_1 = arith.constant 0 : i32
    %dma_start3A_2 = arith.constant 0 : i32
    %dma_start3A_3 = arith.constant 0 : i32
    %dma_start3A_4 = tpu.memref_slice %arg6[%dma_start3A_1, %dma_start3A_2, %dma_start3A_3] : memref<4x256x64xf32, #tpu.memory_space<vmem>> -> memref<1x128x64xf32, #tpu.memory_space<vmem>>
    %dma_start3A_5 = tpu.memref_squeeze %dma_start3A_4 : memref<1x128x64xf32, #tpu.memory_space<vmem>> -> memref<128x64xf32, #tpu.memory_space<vmem>>
    %dma_start3A_6 = arith.constant 0 : i32
    %dma_start3A_7 = tpu.memref_slice %arg5[%dma_start3A, %dma_start3A_6] : memref<200x128xi32, #tpu.memory_space<vmem>> -> memref<1x128xi32, #tpu.memory_space<vmem>>
    %dma_start3A_8 = tpu.memref_squeeze %dma_start3A_7 : memref<1x128xi32, #tpu.memory_space<vmem>> -> memref<128xi32, #tpu.memory_space<vmem>>
    %dma_start3A_9 = arith.constant 0 : i32
    %dma_start3A_10 = arith.constant 0 : i32
    %dma_start3A_11 = tpu.memref_slice %arg3[%dma_start3A_9, %dma_start3A_10] : memref<1000000x64xf32, #tpu.memory_space<hbm>> -> memref<1000000x64xf32, #tpu.memory_space<hbm>>
    tpu.enqueue_indirect_dma source(%dma_start3A_11 : memref<1000000x64xf32, #tpu.memory_space<hbm>>) target(%dma_start3A_5 : memref<128x64xf32, #tpu.memory_space<vmem>>) offsets(%dma_start3A_8 : memref<128xi32, #tpu.memory_space<vmem>>) semaphore(%arg7 : memref<!tpu.dma_semaphore, #tpu.memory_space<semaphore_mem>>)
    %dma_start3A_12 = arith.constant 1 : i32
    %dma_start3A_13 = arith.constant 0 : i32
    %dma_start3A_14 = arith.constant 128 : i32
    %dma_start3A_15 = arith.constant 0 : i32
    %dma_start3A_16 = tpu.memref_slice %arg6[%dma_start3A_13, %dma_start3A_14, %dma_start3A_15] : memref<4x256x64xf32, #tpu.memory_space<vmem>> -> memref<1x128x64xf32, #tpu.memory_space<vmem>>
    %dma_start3A_17 = tpu.memref_squeeze %dma_start3A_16 : memref<1x128x64xf32, #tpu.memory_space<vmem>> -> memref<128x64xf32, #tpu.memory_space<vmem>>
    %dma_start3A_18 = arith.constant 0 : i32
    %dma_start3A_19 = tpu.memref_slice %arg5[%dma_start3A_12, %dma_start3A_18] : memref<200x128xi32, #tpu.memory_space<vmem>> -> memref<1x128xi32, #tpu.memory_space<vmem>>
    %dma_start3A_20 = tpu.memref_squeeze %dma_start3A_19 : memref<1x128xi32, #tpu.memory_space<vmem>> -> memref<128xi32, #tpu.memory_space<vmem>>
    %dma_start3A_21 = arith.constant 0 : i32
    %dma_start3A_22 = arith.constant 0 : i32
    %dma_start3A_23 = tpu.memref_slice %arg3[%dma_start3A_21, %dma_start3A_22] : memref<1000000x64xf32, #tpu.memory_space<hbm>> -> memref<1000000x64xf32, #tpu.memory_space<hbm>>
    tpu.enqueue_indirect_dma source(%dma_start3A_23 : memref<1000000x64xf32, #tpu.memory_space<hbm>>) target(%dma_start3A_17 : memref<128x64xf32, #tpu.memory_space<vmem>>) offsets(%dma_start3A_20 : memref<128xi32, #tpu.memory_space<vmem>>) semaphore(%arg7 : memref<!tpu.dma_semaphore, #tpu.memory_space<semaphore_mem>>)
    %dma_start3A_24 = arith.constant 2 : i32
    %dma_start3A_25 = arith.constant 1 : i32
    %dma_start3A_26 = arith.constant 0 : i32
    %dma_start3A_27 = arith.constant 0 : i32
    %dma_start3A_28 = tpu.memref_slice %arg6[%dma_start3A_25, %dma_start3A_26, %dma_start3A_27] : memref<4x256x64xf32, #tpu.memory_space<vmem>> -> memref<1x128x64xf32, #tpu.memory_space<vmem>>
    %dma_start3A_29 = tpu.memref_squeeze %dma_start3A_28 : memref<1x128x64xf32, #tpu.memory_space<vmem>> -> memref<128x64xf32, #tpu.memory_space<vmem>>
    %dma_start3A_30 = arith.constant 0 : i32
    %dma_start3A_31 = tpu.memref_slice %arg5[%dma_start3A_24, %dma_start3A_30] : memref<200x128xi32, #tpu.memory_space<vmem>> -> memref<1x128xi32, #tpu.memory_space<vmem>>
    %dma_start3A_32 = tpu.memref_squeeze %dma_start3A_31 : memref<1x128xi32, #tpu.memory_space<vmem>> -> memref<128xi32, #tpu.memory_space<vmem>>
    %dma_start3A_33 = arith.constant 0 : i32
    %dma_start3A_34 = arith.constant 0 : i32
    %dma_start3A_35 = tpu.memref_slice %arg3[%dma_start3A_33, %dma_start3A_34] : memref<1000000x64xf32, #tpu.memory_space<hbm>> -> memref<1000000x64xf32, #tpu.memory_space<hbm>>
    tpu.enqueue_indirect_dma source(%dma_start3A_35 : memref<1000000x64xf32, #tpu.memory_space<hbm>>) target(%dma_start3A_29 : memref<128x64xf32, #tpu.memory_space<vmem>>) offsets(%dma_start3A_32 : memref<128xi32, #tpu.memory_space<vmem>>) semaphore(%arg8 : memref<!tpu.dma_semaphore, #tpu.memory_space<semaphore_mem>>)
    %dma_start3A_36 = arith.constant 3 : i32
    %dma_start3A_37 = arith.constant 1 : i32
    %dma_start3A_38 = arith.constant 128 : i32
    %dma_start3A_39 = arith.constant 0 : i32
    %dma_start3A_40 = tpu.memref_slice %arg6[%dma_start3A_37, %dma_start3A_38, %dma_start3A_39] : memref<4x256x64xf32, #tpu.memory_space<vmem>> -> memref<1x128x64xf32, #tpu.memory_space<vmem>>
    %dma_start3A_41 = tpu.memref_squeeze %dma_start3A_40 : memref<1x128x64xf32, #tpu.memory_space<vmem>> -> memref<128x64xf32, #tpu.memory_space<vmem>>
    %dma_start3A_42 = arith.constant 0 : i32
    %dma_start3A_43 = tpu.memref_slice %arg5[%dma_start3A_36, %dma_start3A_42] : memref<200x128xi32, #tpu.memory_space<vmem>> -> memref<1x128xi32, #tpu.memory_space<vmem>>
    %dma_start3A_44 = tpu.memref_squeeze %dma_start3A_43 : memref<1x128xi32, #tpu.memory_space<vmem>> -> memref<128xi32, #tpu.memory_space<vmem>>
    %dma_start3A_45 = arith.constant 0 : i32
    %dma_start3A_46 = arith.constant 0 : i32
    %dma_start3A_47 = tpu.memref_slice %arg3[%dma_start3A_45, %dma_start3A_46] : memref<1000000x64xf32, #tpu.memory_space<hbm>> -> memref<1000000x64xf32, #tpu.memory_space<hbm>>
    tpu.enqueue_indirect_dma source(%dma_start3A_47 : memref<1000000x64xf32, #tpu.memory_space<hbm>>) target(%dma_start3A_41 : memref<128x64xf32, #tpu.memory_space<vmem>>) offsets(%dma_start3A_44 : memref<128xi32, #tpu.memory_space<vmem>>) semaphore(%arg8 : memref<!tpu.dma_semaphore, #tpu.memory_space<semaphore_mem>>)
    %scan3A = arith.constant 0 : i32
    %scan3A_48 = arith.constant 0 : i32
    %scan3A_49 = arith.constant 25 : i32
    %scan3A_50 = arith.addi %scan3A_48, %scan3A_49 : i32
    %scan3A_51 = arith.constant 1 : i32
    scf.for %scan3A_88 = %scan3A_48 to %scan3A_50 step %scan3A_51  : i32 {
      %mul3A_89 = arith.constant 4 : i32
      %mul3A_90 = arith.muli %scan3A_88, %mul3A_89 : i32
      %add3A_91 = arith.constant 0 : i32
      %add3A_92 = arith.addi %mul3A_90, %add3A_91 : i32
      %gt3A = arith.constant 0 : i32
      %gt3A_93 = arith.cmpi sgt, %scan3A_88, %gt3A : i32
      %convert_element_type3A = arith.extui %gt3A_93 : i1 to i32
      %cond3A = arith.constant 0 : i32
      %cond3A_94 = arith.cmpi ne, %convert_element_type3A, %cond3A : i32
      scf.if %cond3A_94 {
        %dma_wait3A_349 = arith.constant 2 : i32
        %dma_wait3A_350 = arith.constant 0 : i32
        %dma_wait3A_351 = arith.constant 0 : i32
        %dma_wait3A_352 = arith.constant 0 : i32
        %dma_wait3A_353 = tpu.memref_slice %arg6[%dma_wait3A_349, %dma_wait3A_351, %dma_wait3A_352] : memref<4x256x64xf32, #tpu.memory_space<vmem>> -> memref<1x256x64xf32, #tpu.memory_space<vmem>>
        %dma_wait3A_354 = tpu.memref_squeeze %dma_wait3A_353 : memref<1x256x64xf32, #tpu.memory_space<vmem>> -> memref<256x64xf32, #tpu.memory_space<vmem>>
        %dma_wait3A_355 = arith.constant 0 : i32
        %dma_wait3A_356 = arith.constant 0 : i32
        %dma_wait3A_357 = tpu.memref_slice %arg4[%add3A, %dma_wait3A_350, %dma_wait3A_355, %dma_wait3A_356] : memref<32x100x256x64xf32, #tpu.memory_space<hbm>> -> memref<1x1x256x64xf32, #tpu.memory_space<hbm>>
        %dma_wait3A_358 = tpu.memref_squeeze %dma_wait3A_357 : memref<1x1x256x64xf32, #tpu.memory_space<hbm>> -> memref<256x64xf32, #tpu.memory_space<hbm>>
        %dma_wait3A_359 = arith.constant 0 : i32
        %dma_wait3A_360 = arith.constant 0 : i32
        %dma_wait3A_361 = tpu.memref_slice %arg4[%add3A, %dma_wait3A_350, %dma_wait3A_359, %dma_wait3A_360] : memref<32x100x256x64xf32, #tpu.memory_space<hbm>> -> memref<1x1x256x64xf32, #tpu.memory_space<hbm>>
        %dma_wait3A_362 = tpu.memref_squeeze %dma_wait3A_361 : memref<1x1x256x64xf32, #tpu.memory_space<hbm>> -> memref<256x64xf32, #tpu.memory_space<hbm>>
        %dma_wait3A_363 = arith.constant 0 : i32
        %dma_wait3A_364 = arith.constant 0 : i32
        %dma_wait3A_365 = tpu.memref_slice %arg6[%dma_wait3A_349, %dma_wait3A_363, %dma_wait3A_364] : memref<4x256x64xf32, #tpu.memory_space<vmem>> -> memref<1x256x64xf32, #tpu.memory_space<vmem>>
        %dma_wait3A_366 = tpu.memref_squeeze %dma_wait3A_365 : memref<1x256x64xf32, #tpu.memory_space<vmem>> -> memref<256x64xf32, #tpu.memory_space<vmem>>
        tpu.wait_dma2 semaphore(%arg13 : memref<!tpu.dma_semaphore, #tpu.memory_space<semaphore_mem>>) src(%dma_wait3A_366 : memref<256x64xf32, #tpu.memory_space<vmem>>) dst(%dma_wait3A_362 : memref<256x64xf32, #tpu.memory_space<hbm>>)
      } else {
      }
      %add3A_95 = arith.constant 2 : i32
      %add3A_96 = arith.addi %add3A_92, %add3A_95 : i32
      %mul3A_97 = arith.constant 2 : i32
      %mul3A_98 = arith.muli %add3A_96, %mul3A_97 : i32
      %add3A_99 = arith.constant 0 : i32
      %add3A_100 = arith.addi %mul3A_98, %add3A_99 : i32
      %dma_start3A_101 = arith.constant 2 : i32
      %dma_start3A_102 = arith.constant 0 : i32
      %dma_start3A_103 = arith.constant 0 : i32
      %dma_start3A_104 = tpu.memref_slice %arg6[%dma_start3A_101, %dma_start3A_102, %dma_start3A_103] : memref<4x256x64xf32, #tpu.memory_space<vmem>> -> memref<1x128x64xf32, #tpu.memory_space<vmem>>
      %dma_start3A_105 = tpu.memref_squeeze %dma_start3A_104 : memref<1x128x64xf32, #tpu.memory_space<vmem>> -> memref<128x64xf32, #tpu.memory_space<vmem>>
      %dma_start3A_106 = arith.constant 0 : i32
      %dma_start3A_107 = tpu.memref_slice %arg5[%add3A_100, %dma_start3A_106] : memref<200x128xi32, #tpu.memory_space<vmem>> -> memref<1x128xi32, #tpu.memory_space<vmem>>
      %dma_start3A_108 = tpu.memref_squeeze %dma_start3A_107 : memref<1x128xi32, #tpu.memory_space<vmem>> -> memref<128xi32, #tpu.memory_space<vmem>>
      %dma_start3A_109 = arith.constant 0 : i32
      %dma_start3A_110 = arith.constant 0 : i32
      %dma_start3A_111 = tpu.memref_slice %arg3[%dma_start3A_109, %dma_start3A_110] : memref<1000000x64xf32, #tpu.memory_space<hbm>> -> memref<1000000x64xf32, #tpu.memory_space<hbm>>
      tpu.enqueue_indirect_dma source(%dma_start3A_111 : memref<1000000x64xf32, #tpu.memory_space<hbm>>) target(%dma_start3A_105 : memref<128x64xf32, #tpu.memory_space<vmem>>) offsets(%dma_start3A_108 : memref<128xi32, #tpu.memory_space<vmem>>) semaphore(%arg9 : memref<!tpu.dma_semaphore, #tpu.memory_space<semaphore_mem>>)
      %mul3A_112 = arith.constant 2 : i32
      %mul3A_113 = arith.muli %add3A_96, %mul3A_112 : i32
      %add3A_114 = arith.constant 1 : i32
      %add3A_115 = arith.addi %mul3A_113, %add3A_114 : i32
      %dma_start3A_116 = arith.constant 2 : i32
      %dma_start3A_117 = arith.constant 128 : i32
      %dma_start3A_118 = arith.constant 0 : i32
      %dma_start3A_119 = tpu.memref_slice %arg6[%dma_start3A_116, %dma_start3A_117, %dma_start3A_118] : memref<4x256x64xf32, #tpu.memory_space<vmem>> -> memref<1x128x64xf32, #tpu.memory_space<vmem>>
      %dma_start3A_120 = tpu.memref_squeeze %dma_start3A_119 : memref<1x128x64xf32, #tpu.memory_space<vmem>> -> memref<128x64xf32, #tpu.memory_space<vmem>>
      %dma_start3A_121 = arith.constant 0 : i32
      %dma_start3A_122 = tpu.memref_slice %arg5[%add3A_115, %dma_start3A_121] : memref<200x128xi32, #tpu.memory_space<vmem>> -> memref<1x128xi32, #tpu.memory_space<vmem>>
      %dma_start3A_123 = tpu.memref_squeeze %dma_start3A_122 : memref<1x128xi32, #tpu.memory_space<vmem>> -> memref<128xi32, #tpu.memory_space<vmem>>
      %dma_start3A_124 = arith.constant 0 : i32
      %dma_start3A_125 = arith.constant 0 : i32
      %dma_start3A_126 = tpu.memref_slice %arg3[%dma_start3A_124, %dma_start3A_125] : memref<1000000x64xf32, #tpu.memory_space<hbm>> -> memref<1000000x64xf32, #tpu.memory_space<hbm>>
      tpu.enqueue_indirect_dma source(%dma_start3A_126 : memref<1000000x64xf32, #tpu.memory_space<hbm>>) target(%dma_start3A_120 : memref<128x64xf32, #tpu.memory_space<vmem>>) offsets(%dma_start3A_123 : memref<128xi32, #tpu.memory_space<vmem>>) semaphore(%arg9 : memref<!tpu.dma_semaphore, #tpu.memory_space<semaphore_mem>>)
      %dma_wait3A_127 = arith.constant 0 : i32
      %dma_wait3A_128 = arith.constant 0 : i32
      %dma_wait3A_129 = arith.constant 0 : i32
      %dma_wait3A_130 = tpu.memref_slice %arg6[%dma_wait3A_127, %dma_wait3A_128, %dma_wait3A_129] : memref<4x256x64xf32, #tpu.memory_space<vmem>> -> memref<1x256x64xf32, #tpu.memory_space<vmem>>
      %dma_wait3A_131 = tpu.memref_squeeze %dma_wait3A_130 : memref<1x256x64xf32, #tpu.memory_space<vmem>> -> memref<256x64xf32, #tpu.memory_space<vmem>>
      %dma_wait3A_132 = arith.constant 0 : i32
      %dma_wait3A_133 = arith.constant 0 : i32
      %dma_wait3A_134 = tpu.memref_slice %arg3[%dma_wait3A_132, %dma_wait3A_133] : memref<1000000x64xf32, #tpu.memory_space<hbm>> -> memref<256x64xf32, #tpu.memory_space<hbm>>
      %dma_wait3A_135 = arith.constant 0 : i32
      %dma_wait3A_136 = arith.constant 0 : i32
      %dma_wait3A_137 = tpu.memref_slice %arg6[%dma_wait3A_127, %dma_wait3A_135, %dma_wait3A_136] : memref<4x256x64xf32, #tpu.memory_space<vmem>> -> memref<1x256x64xf32, #tpu.memory_space<vmem>>
      %dma_wait3A_138 = tpu.memref_squeeze %dma_wait3A_137 : memref<1x256x64xf32, #tpu.memory_space<vmem>> -> memref<256x64xf32, #tpu.memory_space<vmem>>
      %dma_wait3A_139 = arith.constant 0 : i32
      %dma_wait3A_140 = arith.constant 0 : i32
      %dma_wait3A_141 = tpu.memref_slice %arg3[%dma_wait3A_139, %dma_wait3A_140] : memref<1000000x64xf32, #tpu.memory_space<hbm>> -> memref<256x64xf32, #tpu.memory_space<hbm>>
      tpu.wait_dma2 semaphore(%arg7 : memref<!tpu.dma_semaphore, #tpu.memory_space<semaphore_mem>>) src(%dma_wait3A_141 : memref<256x64xf32, #tpu.memory_space<hbm>>) dst(%dma_wait3A_138 : memref<256x64xf32, #tpu.memory_space<vmem>>)
      %dma_start3A_142 = arith.constant 0 : i32
      %dma_start3A_143 = arith.constant 0 : i32
      %dma_start3A_144 = arith.constant 0 : i32
      %dma_start3A_145 = tpu.memref_slice %arg6[%dma_start3A_142, %dma_start3A_143, %dma_start3A_144] : memref<4x256x64xf32, #tpu.memory_space<vmem>> -> memref<1x256x64xf32, #tpu.memory_space<vmem>>
      %dma_start3A_146 = tpu.memref_squeeze %dma_start3A_145 : memref<1x256x64xf32, #tpu.memory_space<vmem>> -> memref<256x64xf32, #tpu.memory_space<vmem>>
      %dma_start3A_147 = arith.constant 0 : i32
      %dma_start3A_148 = arith.constant 0 : i32
      %dma_start3A_149 = tpu.memref_slice %arg4[%add3A, %add3A_92, %dma_start3A_147, %dma_start3A_148] : memref<32x100x256x64xf32, #tpu.memory_space<hbm>> -> memref<1x1x256x64xf32, #tpu.memory_space<hbm>>
      %dma_start3A_150 = tpu.memref_squeeze %dma_start3A_149 : memref<1x1x256x64xf32, #tpu.memory_space<hbm>> -> memref<256x64xf32, #tpu.memory_space<hbm>>
      %dma_start3A_151 = arith.constant 0 : i32
      %dma_start3A_152 = arith.constant 0 : i32
      %dma_start3A_153 = tpu.memref_slice %arg4[%add3A, %add3A_92, %dma_start3A_151, %dma_start3A_152] : memref<32x100x256x64xf32, #tpu.memory_space<hbm>> -> memref<1x1x256x64xf32, #tpu.memory_space<hbm>>
      %dma_start3A_154 = tpu.memref_squeeze %dma_start3A_153 : memref<1x1x256x64xf32, #tpu.memory_space<hbm>> -> memref<256x64xf32, #tpu.memory_space<hbm>>
      %dma_start3A_155 = arith.constant 0 : i32
      %dma_start3A_156 = arith.constant 0 : i32
      %dma_start3A_157 = tpu.memref_slice %arg6[%dma_start3A_142, %dma_start3A_155, %dma_start3A_156] : memref<4x256x64xf32, #tpu.memory_space<vmem>> -> memref<1x256x64xf32, #tpu.memory_space<vmem>>
      %dma_start3A_158 = tpu.memref_squeeze %dma_start3A_157 : memref<1x256x64xf32, #tpu.memory_space<vmem>> -> memref<256x64xf32, #tpu.memory_space<vmem>>
      tpu.enqueue_dma source(%dma_start3A_158 : memref<256x64xf32, #tpu.memory_space<vmem>>) target(%dma_start3A_154 : memref<256x64xf32, #tpu.memory_space<hbm>>) target_semaphore(%arg11 : memref<!tpu.dma_semaphore, #tpu.memory_space<semaphore_mem>>)
      %mul3A_159 = arith.constant 4 : i32
      %mul3A_160 = arith.muli %scan3A_88, %mul3A_159 : i32
      %add3A_161 = arith.constant 1 : i32
      %add3A_162 = arith.addi %mul3A_160, %add3A_161 : i32
      %gt3A_163 = arith.constant 0 : i32
      %gt3A_164 = arith.cmpi sgt, %scan3A_88, %gt3A_163 : i32
      %convert_element_type3A_165 = arith.extui %gt3A_164 : i1 to i32
      %cond3A_166 = arith.constant 0 : i32
      %cond3A_167 = arith.cmpi ne, %convert_element_type3A_165, %cond3A_166 : i32
      scf.if %cond3A_167 {
        %dma_wait3A_349 = arith.constant 3 : i32
        %dma_wait3A_350 = arith.constant 0 : i32
        %dma_wait3A_351 = arith.constant 0 : i32
        %dma_wait3A_352 = arith.constant 0 : i32
        %dma_wait3A_353 = tpu.memref_slice %arg6[%dma_wait3A_349, %dma_wait3A_351, %dma_wait3A_352] : memref<4x256x64xf32, #tpu.memory_space<vmem>> -> memref<1x256x64xf32, #tpu.memory_space<vmem>>
        %dma_wait3A_354 = tpu.memref_squeeze %dma_wait3A_353 : memref<1x256x64xf32, #tpu.memory_space<vmem>> -> memref<256x64xf32, #tpu.memory_space<vmem>>
        %dma_wait3A_355 = arith.constant 0 : i32
        %dma_wait3A_356 = arith.constant 0 : i32
        %dma_wait3A_357 = tpu.memref_slice %arg4[%add3A, %dma_wait3A_350, %dma_wait3A_355, %dma_wait3A_356] : memref<32x100x256x64xf32, #tpu.memory_space<hbm>> -> memref<1x1x256x64xf32, #tpu.memory_space<hbm>>
        %dma_wait3A_358 = tpu.memref_squeeze %dma_wait3A_357 : memref<1x1x256x64xf32, #tpu.memory_space<hbm>> -> memref<256x64xf32, #tpu.memory_space<hbm>>
        %dma_wait3A_359 = arith.constant 0 : i32
        %dma_wait3A_360 = arith.constant 0 : i32
        %dma_wait3A_361 = tpu.memref_slice %arg4[%add3A, %dma_wait3A_350, %dma_wait3A_359, %dma_wait3A_360] : memref<32x100x256x64xf32, #tpu.memory_space<hbm>> -> memref<1x1x256x64xf32, #tpu.memory_space<hbm>>
        %dma_wait3A_362 = tpu.memref_squeeze %dma_wait3A_361 : memref<1x1x256x64xf32, #tpu.memory_space<hbm>> -> memref<256x64xf32, #tpu.memory_space<hbm>>
        %dma_wait3A_363 = arith.constant 0 : i32
        %dma_wait3A_364 = arith.constant 0 : i32
        %dma_wait3A_365 = tpu.memref_slice %arg6[%dma_wait3A_349, %dma_wait3A_363, %dma_wait3A_364] : memref<4x256x64xf32, #tpu.memory_space<vmem>> -> memref<1x256x64xf32, #tpu.memory_space<vmem>>
        %dma_wait3A_366 = tpu.memref_squeeze %dma_wait3A_365 : memref<1x256x64xf32, #tpu.memory_space<vmem>> -> memref<256x64xf32, #tpu.memory_space<vmem>>
        tpu.wait_dma2 semaphore(%arg14 : memref<!tpu.dma_semaphore, #tpu.memory_space<semaphore_mem>>) src(%dma_wait3A_366 : memref<256x64xf32, #tpu.memory_space<vmem>>) dst(%dma_wait3A_362 : memref<256x64xf32, #tpu.memory_space<hbm>>)
      } else {
      }
      %add3A_168 = arith.constant 2 : i32
      %add3A_169 = arith.addi %add3A_162, %add3A_168 : i32
      %mul3A_170 = arith.constant 2 : i32
      %mul3A_171 = arith.muli %add3A_169, %mul3A_170 : i32
      %add3A_172 = arith.constant 0 : i32
      %add3A_173 = arith.addi %mul3A_171, %add3A_172 : i32
      %dma_start3A_174 = arith.constant 3 : i32
      %dma_start3A_175 = arith.constant 0 : i32
      %dma_start3A_176 = arith.constant 0 : i32
      %dma_start3A_177 = tpu.memref_slice %arg6[%dma_start3A_174, %dma_start3A_175, %dma_start3A_176] : memref<4x256x64xf32, #tpu.memory_space<vmem>> -> memref<1x128x64xf32, #tpu.memory_space<vmem>>
      %dma_start3A_178 = tpu.memref_squeeze %dma_start3A_177 : memref<1x128x64xf32, #tpu.memory_space<vmem>> -> memref<128x64xf32, #tpu.memory_space<vmem>>
      %dma_start3A_179 = arith.constant 0 : i32
      %dma_start3A_180 = tpu.memref_slice %arg5[%add3A_173, %dma_start3A_179] : memref<200x128xi32, #tpu.memory_space<vmem>> -> memref<1x128xi32, #tpu.memory_space<vmem>>
      %dma_start3A_181 = tpu.memref_squeeze %dma_start3A_180 : memref<1x128xi32, #tpu.memory_space<vmem>> -> memref<128xi32, #tpu.memory_space<vmem>>
      %dma_start3A_182 = arith.constant 0 : i32
      %dma_start3A_183 = arith.constant 0 : i32
      %dma_start3A_184 = tpu.memref_slice %arg3[%dma_start3A_182, %dma_start3A_183] : memref<1000000x64xf32, #tpu.memory_space<hbm>> -> memref<1000000x64xf32, #tpu.memory_space<hbm>>
      tpu.enqueue_indirect_dma source(%dma_start3A_184 : memref<1000000x64xf32, #tpu.memory_space<hbm>>) target(%dma_start3A_178 : memref<128x64xf32, #tpu.memory_space<vmem>>) offsets(%dma_start3A_181 : memref<128xi32, #tpu.memory_space<vmem>>) semaphore(%arg10 : memref<!tpu.dma_semaphore, #tpu.memory_space<semaphore_mem>>)
      %mul3A_185 = arith.constant 2 : i32
      %mul3A_186 = arith.muli %add3A_169, %mul3A_185 : i32
      %add3A_187 = arith.constant 1 : i32
      %add3A_188 = arith.addi %mul3A_186, %add3A_187 : i32
      %dma_start3A_189 = arith.constant 3 : i32
      %dma_start3A_190 = arith.constant 128 : i32
      %dma_start3A_191 = arith.constant 0 : i32
      %dma_start3A_192 = tpu.memref_slice %arg6[%dma_start3A_189, %dma_start3A_190, %dma_start3A_191] : memref<4x256x64xf32, #tpu.memory_space<vmem>> -> memref<1x128x64xf32, #tpu.memory_space<vmem>>
      %dma_start3A_193 = tpu.memref_squeeze %dma_start3A_192 : memref<1x128x64xf32, #tpu.memory_space<vmem>> -> memref<128x64xf32, #tpu.memory_space<vmem>>
      %dma_start3A_194 = arith.constant 0 : i32
      %dma_start3A_195 = tpu.memref_slice %arg5[%add3A_188, %dma_start3A_194] : memref<200x128xi32, #tpu.memory_space<vmem>> -> memref<1x128xi32, #tpu.memory_space<vmem>>
      %dma_start3A_196 = tpu.memref_squeeze %dma_start3A_195 : memref<1x128xi32, #tpu.memory_space<vmem>> -> memref<128xi32, #tpu.memory_space<vmem>>
      %dma_start3A_197 = arith.constant 0 : i32
      %dma_start3A_198 = arith.constant 0 : i32
      %dma_start3A_199 = tpu.memref_slice %arg3[%dma_start3A_197, %dma_start3A_198] : memref<1000000x64xf32, #tpu.memory_space<hbm>> -> memref<1000000x64xf32, #tpu.memory_space<hbm>>
      tpu.enqueue_indirect_dma source(%dma_start3A_199 : memref<1000000x64xf32, #tpu.memory_space<hbm>>) target(%dma_start3A_193 : memref<128x64xf32, #tpu.memory_space<vmem>>) offsets(%dma_start3A_196 : memref<128xi32, #tpu.memory_space<vmem>>) semaphore(%arg10 : memref<!tpu.dma_semaphore, #tpu.memory_space<semaphore_mem>>)
      %dma_wait3A_200 = arith.constant 1 : i32
      %dma_wait3A_201 = arith.constant 0 : i32
      %dma_wait3A_202 = arith.constant 0 : i32
      %dma_wait3A_203 = tpu.memref_slice %arg6[%dma_wait3A_200, %dma_wait3A_201, %dma_wait3A_202] : memref<4x256x64xf32, #tpu.memory_space<vmem>> -> memref<1x256x64xf32, #tpu.memory_space<vmem>>
      %dma_wait3A_204 = tpu.memref_squeeze %dma_wait3A_203 : memref<1x256x64xf32, #tpu.memory_space<vmem>> -> memref<256x64xf32, #tpu.memory_space<vmem>>
      %dma_wait3A_205 = arith.constant 0 : i32
      %dma_wait3A_206 = arith.constant 0 : i32
      %dma_wait3A_207 = tpu.memref_slice %arg3[%dma_wait3A_205, %dma_wait3A_206] : memref<1000000x64xf32, #tpu.memory_space<hbm>> -> memref<256x64xf32, #tpu.memory_space<hbm>>
      %dma_wait3A_208 = arith.constant 0 : i32
      %dma_wait3A_209 = arith.constant 0 : i32
      %dma_wait3A_210 = tpu.memref_slice %arg6[%dma_wait3A_200, %dma_wait3A_208, %dma_wait3A_209] : memref<4x256x64xf32, #tpu.memory_space<vmem>> -> memref<1x256x64xf32, #tpu.memory_space<vmem>>
      %dma_wait3A_211 = tpu.memref_squeeze %dma_wait3A_210 : memref<1x256x64xf32, #tpu.memory_space<vmem>> -> memref<256x64xf32, #tpu.memory_space<vmem>>
      %dma_wait3A_212 = arith.constant 0 : i32
      %dma_wait3A_213 = arith.constant 0 : i32
      %dma_wait3A_214 = tpu.memref_slice %arg3[%dma_wait3A_212, %dma_wait3A_213] : memref<1000000x64xf32, #tpu.memory_space<hbm>> -> memref<256x64xf32, #tpu.memory_space<hbm>>
      tpu.wait_dma2 semaphore(%arg8 : memref<!tpu.dma_semaphore, #tpu.memory_space<semaphore_mem>>) src(%dma_wait3A_214 : memref<256x64xf32, #tpu.memory_space<hbm>>) dst(%dma_wait3A_211 : memref<256x64xf32, #tpu.memory_space<vmem>>)
      %dma_start3A_215 = arith.constant 1 : i32
      %dma_start3A_216 = arith.constant 0 : i32
      %dma_start3A_217 = arith.constant 0 : i32
      %dma_start3A_218 = tpu.memref_slice %arg6[%dma_start3A_215, %dma_start3A_216, %dma_start3A_217] : memref<4x256x64xf32, #tpu.memory_space<vmem>> -> memref<1x256x64xf32, #tpu.memory_space<vmem>>
      %dma_start3A_219 = tpu.memref_squeeze %dma_start3A_218 : memref<1x256x64xf32, #tpu.memory_space<vmem>> -> memref<256x64xf32, #tpu.memory_space<vmem>>
      %dma_start3A_220 = arith.constant 0 : i32
      %dma_start3A_221 = arith.constant 0 : i32
      %dma_start3A_222 = tpu.memref_slice %arg4[%add3A, %add3A_162, %dma_start3A_220, %dma_start3A_221] : memref<32x100x256x64xf32, #tpu.memory_space<hbm>> -> memref<1x1x256x64xf32, #tpu.memory_space<hbm>>
      %dma_start3A_223 = tpu.memref_squeeze %dma_start3A_222 : memref<1x1x256x64xf32, #tpu.memory_space<hbm>> -> memref<256x64xf32, #tpu.memory_space<hbm>>
      %dma_start3A_224 = arith.constant 0 : i32
      %dma_start3A_225 = arith.constant 0 : i32
      %dma_start3A_226 = tpu.memref_slice %arg4[%add3A, %add3A_162, %dma_start3A_224, %dma_start3A_225] : memref<32x100x256x64xf32, #tpu.memory_space<hbm>> -> memref<1x1x256x64xf32, #tpu.memory_space<hbm>>
      %dma_start3A_227 = tpu.memref_squeeze %dma_start3A_226 : memref<1x1x256x64xf32, #tpu.memory_space<hbm>> -> memref<256x64xf32, #tpu.memory_space<hbm>>
      %dma_start3A_228 = arith.constant 0 : i32
      %dma_start3A_229 = arith.constant 0 : i32
      %dma_start3A_230 = tpu.memref_slice %arg6[%dma_start3A_215, %dma_start3A_228, %dma_start3A_229] : memref<4x256x64xf32, #tpu.memory_space<vmem>> -> memref<1x256x64xf32, #tpu.memory_space<vmem>>
      %dma_start3A_231 = tpu.memref_squeeze %dma_start3A_230 : memref<1x256x64xf32, #tpu.memory_space<vmem>> -> memref<256x64xf32, #tpu.memory_space<vmem>>
      tpu.enqueue_dma source(%dma_start3A_231 : memref<256x64xf32, #tpu.memory_space<vmem>>) target(%dma_start3A_227 : memref<256x64xf32, #tpu.memory_space<hbm>>) target_semaphore(%arg12 : memref<!tpu.dma_semaphore, #tpu.memory_space<semaphore_mem>>)
      %mul3A_232 = arith.constant 4 : i32
      %mul3A_233 = arith.muli %scan3A_88, %mul3A_232 : i32
      %add3A_234 = arith.constant 2 : i32
      %add3A_235 = arith.addi %mul3A_233, %add3A_234 : i32
      %dma_wait3A_236 = arith.constant 0 : i32
      %dma_wait3A_237 = arith.constant 0 : i32
      %dma_wait3A_238 = arith.constant 0 : i32
      %dma_wait3A_239 = arith.constant 0 : i32
      %dma_wait3A_240 = tpu.memref_slice %arg6[%dma_wait3A_236, %dma_wait3A_238, %dma_wait3A_239] : memref<4x256x64xf32, #tpu.memory_space<vmem>> -> memref<1x256x64xf32, #tpu.memory_space<vmem>>
      %dma_wait3A_241 = tpu.memref_squeeze %dma_wait3A_240 : memref<1x256x64xf32, #tpu.memory_space<vmem>> -> memref<256x64xf32, #tpu.memory_space<vmem>>
      %dma_wait3A_242 = arith.constant 0 : i32
      %dma_wait3A_243 = arith.constant 0 : i32
      %dma_wait3A_244 = tpu.memref_slice %arg4[%add3A, %dma_wait3A_237, %dma_wait3A_242, %dma_wait3A_243] : memref<32x100x256x64xf32, #tpu.memory_space<hbm>> -> memref<1x1x256x64xf32, #tpu.memory_space<hbm>>
      %dma_wait3A_245 = tpu.memref_squeeze %dma_wait3A_244 : memref<1x1x256x64xf32, #tpu.memory_space<hbm>> -> memref<256x64xf32, #tpu.memory_space<hbm>>
      %dma_wait3A_246 = arith.constant 0 : i32
      %dma_wait3A_247 = arith.constant 0 : i32
      %dma_wait3A_248 = tpu.memref_slice %arg4[%add3A, %dma_wait3A_237, %dma_wait3A_246, %dma_wait3A_247] : memref<32x100x256x64xf32, #tpu.memory_space<hbm>> -> memref<1x1x256x64xf32, #tpu.memory_space<hbm>>
      %dma_wait3A_249 = tpu.memref_squeeze %dma_wait3A_248 : memref<1x1x256x64xf32, #tpu.memory_space<hbm>> -> memref<256x64xf32, #tpu.memory_space<hbm>>
      %dma_wait3A_250 = arith.constant 0 : i32
      %dma_wait3A_251 = arith.constant 0 : i32
      %dma_wait3A_252 = tpu.memref_slice %arg6[%dma_wait3A_236, %dma_wait3A_250, %dma_wait3A_251] : memref<4x256x64xf32, #tpu.memory_space<vmem>> -> memref<1x256x64xf32, #tpu.memory_space<vmem>>
      %dma_wait3A_253 = tpu.memref_squeeze %dma_wait3A_252 : memref<1x256x64xf32, #tpu.memory_space<vmem>> -> memref<256x64xf32, #tpu.memory_space<vmem>>
      tpu.wait_dma2 semaphore(%arg11 : memref<!tpu.dma_semaphore, #tpu.memory_space<semaphore_mem>>) src(%dma_wait3A_253 : memref<256x64xf32, #tpu.memory_space<vmem>>) dst(%dma_wait3A_249 : memref<256x64xf32, #tpu.memory_space<hbm>>)
      %lt3A = arith.constant 24 : i32
      %lt3A_254 = arith.cmpi slt, %scan3A_88, %lt3A : i32
      %convert_element_type3A_255 = arith.extui %lt3A_254 : i1 to i32
      %cond3A_256 = arith.constant 0 : i32
      %cond3A_257 = arith.cmpi ne, %convert_element_type3A_255, %cond3A_256 : i32
      scf.if %cond3A_257 {
        %add3A_349 = arith.constant 2 : i32
        %add3A_350 = arith.addi %add3A_235, %add3A_349 : i32
        %mul3A_351 = arith.constant 2 : i32
        %mul3A_352 = arith.muli %add3A_350, %mul3A_351 : i32
        %add3A_353 = arith.constant 0 : i32
        %add3A_354 = arith.addi %mul3A_352, %add3A_353 : i32
        %dma_start3A_355 = arith.constant 0 : i32
        %dma_start3A_356 = arith.constant 0 : i32
        %dma_start3A_357 = arith.constant 0 : i32
        %dma_start3A_358 = tpu.memref_slice %arg6[%dma_start3A_355, %dma_start3A_356, %dma_start3A_357] : memref<4x256x64xf32, #tpu.memory_space<vmem>> -> memref<1x128x64xf32, #tpu.memory_space<vmem>>
        %dma_start3A_359 = tpu.memref_squeeze %dma_start3A_358 : memref<1x128x64xf32, #tpu.memory_space<vmem>> -> memref<128x64xf32, #tpu.memory_space<vmem>>
        %dma_start3A_360 = arith.constant 0 : i32
        %dma_start3A_361 = tpu.memref_slice %arg5[%add3A_354, %dma_start3A_360] : memref<200x128xi32, #tpu.memory_space<vmem>> -> memref<1x128xi32, #tpu.memory_space<vmem>>
        %dma_start3A_362 = tpu.memref_squeeze %dma_start3A_361 : memref<1x128xi32, #tpu.memory_space<vmem>> -> memref<128xi32, #tpu.memory_space<vmem>>
        %dma_start3A_363 = arith.constant 0 : i32
        %dma_start3A_364 = arith.constant 0 : i32
        %dma_start3A_365 = tpu.memref_slice %arg3[%dma_start3A_363, %dma_start3A_364] : memref<1000000x64xf32, #tpu.memory_space<hbm>> -> memref<1000000x64xf32, #tpu.memory_space<hbm>>
        tpu.enqueue_indirect_dma source(%dma_start3A_365 : memref<1000000x64xf32, #tpu.memory_space<hbm>>) target(%dma_start3A_359 : memref<128x64xf32, #tpu.memory_space<vmem>>) offsets(%dma_start3A_362 : memref<128xi32, #tpu.memory_space<vmem>>) semaphore(%arg7 : memref<!tpu.dma_semaphore, #tpu.memory_space<semaphore_mem>>)
        %mul3A_366 = arith.constant 2 : i32
        %mul3A_367 = arith.muli %add3A_350, %mul3A_366 : i32
        %add3A_368 = arith.constant 1 : i32
        %add3A_369 = arith.addi %mul3A_367, %add3A_368 : i32
        %dma_start3A_370 = arith.constant 0 : i32
        %dma_start3A_371 = arith.constant 128 : i32
        %dma_start3A_372 = arith.constant 0 : i32
        %dma_start3A_373 = tpu.memref_slice %arg6[%dma_start3A_370, %dma_start3A_371, %dma_start3A_372] : memref<4x256x64xf32, #tpu.memory_space<vmem>> -> memref<1x128x64xf32, #tpu.memory_space<vmem>>
        %dma_start3A_374 = tpu.memref_squeeze %dma_start3A_373 : memref<1x128x64xf32, #tpu.memory_space<vmem>> -> memref<128x64xf32, #tpu.memory_space<vmem>>
        %dma_start3A_375 = arith.constant 0 : i32
        %dma_start3A_376 = tpu.memref_slice %arg5[%add3A_369, %dma_start3A_375] : memref<200x128xi32, #tpu.memory_space<vmem>> -> memref<1x128xi32, #tpu.memory_space<vmem>>
        %dma_start3A_377 = tpu.memref_squeeze %dma_start3A_376 : memref<1x128xi32, #tpu.memory_space<vmem>> -> memref<128xi32, #tpu.memory_space<vmem>>
        %dma_start3A_378 = arith.constant 0 : i32
        %dma_start3A_379 = arith.constant 0 : i32
        %dma_start3A_380 = tpu.memref_slice %arg3[%dma_start3A_378, %dma_start3A_379] : memref<1000000x64xf32, #tpu.memory_space<hbm>> -> memref<1000000x64xf32, #tpu.memory_space<hbm>>
        tpu.enqueue_indirect_dma source(%dma_start3A_380 : memref<1000000x64xf32, #tpu.memory_space<hbm>>) target(%dma_start3A_374 : memref<128x64xf32, #tpu.memory_space<vmem>>) offsets(%dma_start3A_377 : memref<128xi32, #tpu.memory_space<vmem>>) semaphore(%arg7 : memref<!tpu.dma_semaphore, #tpu.memory_space<semaphore_mem>>)
      } else {
      }
      %dma_wait3A_258 = arith.constant 2 : i32
      %dma_wait3A_259 = arith.constant 0 : i32
      %dma_wait3A_260 = arith.constant 0 : i32
      %dma_wait3A_261 = tpu.memref_slice %arg6[%dma_wait3A_258, %dma_wait3A_259, %dma_wait3A_260] : memref<4x256x64xf32, #tpu.memory_space<vmem>> -> memref<1x256x64xf32, #tpu.memory_space<vmem>>
      %dma_wait3A_262 = tpu.memref_squeeze %dma_wait3A_261 : memref<1x256x64xf32, #tpu.memory_space<vmem>> -> memref<256x64xf32, #tpu.memory_space<vmem>>
      %dma_wait3A_263 = arith.constant 0 : i32
      %dma_wait3A_264 = arith.constant 0 : i32
      %dma_wait3A_265 = tpu.memref_slice %arg3[%dma_wait3A_263, %dma_wait3A_264] : memref<1000000x64xf32, #tpu.memory_space<hbm>> -> memref<256x64xf32, #tpu.memory_space<hbm>>
      %dma_wait3A_266 = arith.constant 0 : i32
      %dma_wait3A_267 = arith.constant 0 : i32
      %dma_wait3A_268 = tpu.memref_slice %arg6[%dma_wait3A_258, %dma_wait3A_266, %dma_wait3A_267] : memref<4x256x64xf32, #tpu.memory_space<vmem>> -> memref<1x256x64xf32, #tpu.memory_space<vmem>>
      %dma_wait3A_269 = tpu.memref_squeeze %dma_wait3A_268 : memref<1x256x64xf32, #tpu.memory_space<vmem>> -> memref<256x64xf32, #tpu.memory_space<vmem>>
      %dma_wait3A_270 = arith.constant 0 : i32
      %dma_wait3A_271 = arith.constant 0 : i32
      %dma_wait3A_272 = tpu.memref_slice %arg3[%dma_wait3A_270, %dma_wait3A_271] : memref<1000000x64xf32, #tpu.memory_space<hbm>> -> memref<256x64xf32, #tpu.memory_space<hbm>>
      tpu.wait_dma2 semaphore(%arg9 : memref<!tpu.dma_semaphore, #tpu.memory_space<semaphore_mem>>) src(%dma_wait3A_272 : memref<256x64xf32, #tpu.memory_space<hbm>>) dst(%dma_wait3A_269 : memref<256x64xf32, #tpu.memory_space<vmem>>)
      %dma_start3A_273 = arith.constant 2 : i32
      %dma_start3A_274 = arith.constant 0 : i32
      %dma_start3A_275 = arith.constant 0 : i32
      %dma_start3A_276 = tpu.memref_slice %arg6[%dma_start3A_273, %dma_start3A_274, %dma_start3A_275] : memref<4x256x64xf32, #tpu.memory_space<vmem>> -> memref<1x256x64xf32, #tpu.memory_space<vmem>>
      %dma_start3A_277 = tpu.memref_squeeze %dma_start3A_276 : memref<1x256x64xf32, #tpu.memory_space<vmem>> -> memref<256x64xf32, #tpu.memory_space<vmem>>
      %dma_start3A_278 = arith.constant 0 : i32
      %dma_start3A_279 = arith.constant 0 : i32
      %dma_start3A_280 = tpu.memref_slice %arg4[%add3A, %add3A_235, %dma_start3A_278, %dma_start3A_279] : memref<32x100x256x64xf32, #tpu.memory_space<hbm>> -> memref<1x1x256x64xf32, #tpu.memory_space<hbm>>
      %dma_start3A_281 = tpu.memref_squeeze %dma_start3A_280 : memref<1x1x256x64xf32, #tpu.memory_space<hbm>> -> memref<256x64xf32, #tpu.memory_space<hbm>>
      %dma_start3A_282 = arith.constant 0 : i32
      %dma_start3A_283 = arith.constant 0 : i32
      %dma_start3A_284 = tpu.memref_slice %arg4[%add3A, %add3A_235, %dma_start3A_282, %dma_start3A_283] : memref<32x100x256x64xf32, #tpu.memory_space<hbm>> -> memref<1x1x256x64xf32, #tpu.memory_space<hbm>>
      %dma_start3A_285 = tpu.memref_squeeze %dma_start3A_284 : memref<1x1x256x64xf32, #tpu.memory_space<hbm>> -> memref<256x64xf32, #tpu.memory_space<hbm>>
      %dma_start3A_286 = arith.constant 0 : i32
      %dma_start3A_287 = arith.constant 0 : i32
      %dma_start3A_288 = tpu.memref_slice %arg6[%dma_start3A_273, %dma_start3A_286, %dma_start3A_287] : memref<4x256x64xf32, #tpu.memory_space<vmem>> -> memref<1x256x64xf32, #tpu.memory_space<vmem>>
      %dma_start3A_289 = tpu.memref_squeeze %dma_start3A_288 : memref<1x256x64xf32, #tpu.memory_space<vmem>> -> memref<256x64xf32, #tpu.memory_space<vmem>>
      tpu.enqueue_dma source(%dma_start3A_289 : memref<256x64xf32, #tpu.memory_space<vmem>>) target(%dma_start3A_285 : memref<256x64xf32, #tpu.memory_space<hbm>>) target_semaphore(%arg13 : memref<!tpu.dma_semaphore, #tpu.memory_space<semaphore_mem>>)
      %mul3A_290 = arith.constant 4 : i32
      %mul3A_291 = arith.muli %scan3A_88, %mul3A_290 : i32
      %add3A_292 = arith.constant 3 : i32
      %add3A_293 = arith.addi %mul3A_291, %add3A_292 : i32
      %dma_wait3A_294 = arith.constant 1 : i32
      %dma_wait3A_295 = arith.constant 0 : i32
      %dma_wait3A_296 = arith.constant 0 : i32
      %dma_wait3A_297 = arith.constant 0 : i32
      %dma_wait3A_298 = tpu.memref_slice %arg6[%dma_wait3A_294, %dma_wait3A_296, %dma_wait3A_297] : memref<4x256x64xf32, #tpu.memory_space<vmem>> -> memref<1x256x64xf32, #tpu.memory_space<vmem>>
      %dma_wait3A_299 = tpu.memref_squeeze %dma_wait3A_298 : memref<1x256x64xf32, #tpu.memory_space<vmem>> -> memref<256x64xf32, #tpu.memory_space<vmem>>
      %dma_wait3A_300 = arith.constant 0 : i32
      %dma_wait3A_301 = arith.constant 0 : i32
      %dma_wait3A_302 = tpu.memref_slice %arg4[%add3A, %dma_wait3A_295, %dma_wait3A_300, %dma_wait3A_301] : memref<32x100x256x64xf32, #tpu.memory_space<hbm>> -> memref<1x1x256x64xf32, #tpu.memory_space<hbm>>
      %dma_wait3A_303 = tpu.memref_squeeze %dma_wait3A_302 : memref<1x1x256x64xf32, #tpu.memory_space<hbm>> -> memref<256x64xf32, #tpu.memory_space<hbm>>
      %dma_wait3A_304 = arith.constant 0 : i32
      %dma_wait3A_305 = arith.constant 0 : i32
      %dma_wait3A_306 = tpu.memref_slice %arg4[%add3A, %dma_wait3A_295, %dma_wait3A_304, %dma_wait3A_305] : memref<32x100x256x64xf32, #tpu.memory_space<hbm>> -> memref<1x1x256x64xf32, #tpu.memory_space<hbm>>
      %dma_wait3A_307 = tpu.memref_squeeze %dma_wait3A_306 : memref<1x1x256x64xf32, #tpu.memory_space<hbm>> -> memref<256x64xf32, #tpu.memory_space<hbm>>
      %dma_wait3A_308 = arith.constant 0 : i32
      %dma_wait3A_309 = arith.constant 0 : i32
      %dma_wait3A_310 = tpu.memref_slice %arg6[%dma_wait3A_294, %dma_wait3A_308, %dma_wait3A_309] : memref<4x256x64xf32, #tpu.memory_space<vmem>> -> memref<1x256x64xf32, #tpu.memory_space<vmem>>
      %dma_wait3A_311 = tpu.memref_squeeze %dma_wait3A_310 : memref<1x256x64xf32, #tpu.memory_space<vmem>> -> memref<256x64xf32, #tpu.memory_space<vmem>>
      tpu.wait_dma2 semaphore(%arg12 : memref<!tpu.dma_semaphore, #tpu.memory_space<semaphore_mem>>) src(%dma_wait3A_311 : memref<256x64xf32, #tpu.memory_space<vmem>>) dst(%dma_wait3A_307 : memref<256x64xf32, #tpu.memory_space<hbm>>)
      %lt3A_312 = arith.constant 24 : i32
      %lt3A_313 = arith.cmpi slt, %scan3A_88, %lt3A_312 : i32
      %convert_element_type3A_314 = arith.extui %lt3A_313 : i1 to i32
      %cond3A_315 = arith.constant 0 : i32
      %cond3A_316 = arith.cmpi ne, %convert_element_type3A_314, %cond3A_315 : i32
      scf.if %cond3A_316 {
        %add3A_349 = arith.constant 2 : i32
        %add3A_350 = arith.addi %add3A_293, %add3A_349 : i32
        %mul3A_351 = arith.constant 2 : i32
        %mul3A_352 = arith.muli %add3A_350, %mul3A_351 : i32
        %add3A_353 = arith.constant 0 : i32
        %add3A_354 = arith.addi %mul3A_352, %add3A_353 : i32
        %dma_start3A_355 = arith.constant 1 : i32
        %dma_start3A_356 = arith.constant 0 : i32
        %dma_start3A_357 = arith.constant 0 : i32
        %dma_start3A_358 = tpu.memref_slice %arg6[%dma_start3A_355, %dma_start3A_356, %dma_start3A_357] : memref<4x256x64xf32, #tpu.memory_space<vmem>> -> memref<1x128x64xf32, #tpu.memory_space<vmem>>
        %dma_start3A_359 = tpu.memref_squeeze %dma_start3A_358 : memref<1x128x64xf32, #tpu.memory_space<vmem>> -> memref<128x64xf32, #tpu.memory_space<vmem>>
        %dma_start3A_360 = arith.constant 0 : i32
        %dma_start3A_361 = tpu.memref_slice %arg5[%add3A_354, %dma_start3A_360] : memref<200x128xi32, #tpu.memory_space<vmem>> -> memref<1x128xi32, #tpu.memory_space<vmem>>
        %dma_start3A_362 = tpu.memref_squeeze %dma_start3A_361 : memref<1x128xi32, #tpu.memory_space<vmem>> -> memref<128xi32, #tpu.memory_space<vmem>>
        %dma_start3A_363 = arith.constant 0 : i32
        %dma_start3A_364 = arith.constant 0 : i32
        %dma_start3A_365 = tpu.memref_slice %arg3[%dma_start3A_363, %dma_start3A_364] : memref<1000000x64xf32, #tpu.memory_space<hbm>> -> memref<1000000x64xf32, #tpu.memory_space<hbm>>
        tpu.enqueue_indirect_dma source(%dma_start3A_365 : memref<1000000x64xf32, #tpu.memory_space<hbm>>) target(%dma_start3A_359 : memref<128x64xf32, #tpu.memory_space<vmem>>) offsets(%dma_start3A_362 : memref<128xi32, #tpu.memory_space<vmem>>) semaphore(%arg8 : memref<!tpu.dma_semaphore, #tpu.memory_space<semaphore_mem>>)
        %mul3A_366 = arith.constant 2 : i32
        %mul3A_367 = arith.muli %add3A_350, %mul3A_366 : i32
        %add3A_368 = arith.constant 1 : i32
        %add3A_369 = arith.addi %mul3A_367, %add3A_368 : i32
        %dma_start3A_370 = arith.constant 1 : i32
        %dma_start3A_371 = arith.constant 128 : i32
        %dma_start3A_372 = arith.constant 0 : i32
        %dma_start3A_373 = tpu.memref_slice %arg6[%dma_start3A_370, %dma_start3A_371, %dma_start3A_372] : memref<4x256x64xf32, #tpu.memory_space<vmem>> -> memref<1x128x64xf32, #tpu.memory_space<vmem>>
        %dma_start3A_374 = tpu.memref_squeeze %dma_start3A_373 : memref<1x128x64xf32, #tpu.memory_space<vmem>> -> memref<128x64xf32, #tpu.memory_space<vmem>>
        %dma_start3A_375 = arith.constant 0 : i32
        %dma_start3A_376 = tpu.memref_slice %arg5[%add3A_369, %dma_start3A_375] : memref<200x128xi32, #tpu.memory_space<vmem>> -> memref<1x128xi32, #tpu.memory_space<vmem>>
        %dma_start3A_377 = tpu.memref_squeeze %dma_start3A_376 : memref<1x128xi32, #tpu.memory_space<vmem>> -> memref<128xi32, #tpu.memory_space<vmem>>
        %dma_start3A_378 = arith.constant 0 : i32
        %dma_start3A_379 = arith.constant 0 : i32
        %dma_start3A_380 = tpu.memref_slice %arg3[%dma_start3A_378, %dma_start3A_379] : memref<1000000x64xf32, #tpu.memory_space<hbm>> -> memref<1000000x64xf32, #tpu.memory_space<hbm>>
        tpu.enqueue_indirect_dma source(%dma_start3A_380 : memref<1000000x64xf32, #tpu.memory_space<hbm>>) target(%dma_start3A_374 : memref<128x64xf32, #tpu.memory_space<vmem>>) offsets(%dma_start3A_377 : memref<128xi32, #tpu.memory_space<vmem>>) semaphore(%arg8 : memref<!tpu.dma_semaphore, #tpu.memory_space<semaphore_mem>>)
      } else {
      }
      %dma_wait3A_317 = arith.constant 3 : i32
      %dma_wait3A_318 = arith.constant 0 : i32
      %dma_wait3A_319 = arith.constant 0 : i32
      %dma_wait3A_320 = tpu.memref_slice %arg6[%dma_wait3A_317, %dma_wait3A_318, %dma_wait3A_319] : memref<4x256x64xf32, #tpu.memory_space<vmem>> -> memref<1x256x64xf32, #tpu.memory_space<vmem>>
      %dma_wait3A_321 = tpu.memref_squeeze %dma_wait3A_320 : memref<1x256x64xf32, #tpu.memory_space<vmem>> -> memref<256x64xf32, #tpu.memory_space<vmem>>
      %dma_wait3A_322 = arith.constant 0 : i32
      %dma_wait3A_323 = arith.constant 0 : i32
      %dma_wait3A_324 = tpu.memref_slice %arg3[%dma_wait3A_322, %dma_wait3A_323] : memref<1000000x64xf32, #tpu.memory_space<hbm>> -> memref<256x64xf32, #tpu.memory_space<hbm>>
      %dma_wait3A_325 = arith.constant 0 : i32
      %dma_wait3A_326 = arith.constant 0 : i32
      %dma_wait3A_327 = tpu.memref_slice %arg6[%dma_wait3A_317, %dma_wait3A_325, %dma_wait3A_326] : memref<4x256x64xf32, #tpu.memory_space<vmem>> -> memref<1x256x64xf32, #tpu.memory_space<vmem>>
      %dma_wait3A_328 = tpu.memref_squeeze %dma_wait3A_327 : memref<1x256x64xf32, #tpu.memory_space<vmem>> -> memref<256x64xf32, #tpu.memory_space<vmem>>
      %dma_wait3A_329 = arith.constant 0 : i32
      %dma_wait3A_330 = arith.constant 0 : i32
      %dma_wait3A_331 = tpu.memref_slice %arg3[%dma_wait3A_329, %dma_wait3A_330] : memref<1000000x64xf32, #tpu.memory_space<hbm>> -> memref<256x64xf32, #tpu.memory_space<hbm>>
      tpu.wait_dma2 semaphore(%arg10 : memref<!tpu.dma_semaphore, #tpu.memory_space<semaphore_mem>>) src(%dma_wait3A_331 : memref<256x64xf32, #tpu.memory_space<hbm>>) dst(%dma_wait3A_328 : memref<256x64xf32, #tpu.memory_space<vmem>>)
      %dma_start3A_332 = arith.constant 3 : i32
      %dma_start3A_333 = arith.constant 0 : i32
      %dma_start3A_334 = arith.constant 0 : i32
      %dma_start3A_335 = tpu.memref_slice %arg6[%dma_start3A_332, %dma_start3A_333, %dma_start3A_334] : memref<4x256x64xf32, #tpu.memory_space<vmem>> -> memref<1x256x64xf32, #tpu.memory_space<vmem>>
      %dma_start3A_336 = tpu.memref_squeeze %dma_start3A_335 : memref<1x256x64xf32, #tpu.memory_space<vmem>> -> memref<256x64xf32, #tpu.memory_space<vmem>>
      %dma_start3A_337 = arith.constant 0 : i32
      %dma_start3A_338 = arith.constant 0 : i32
      %dma_start3A_339 = tpu.memref_slice %arg4[%add3A, %add3A_293, %dma_start3A_337, %dma_start3A_338] : memref<32x100x256x64xf32, #tpu.memory_space<hbm>> -> memref<1x1x256x64xf32, #tpu.memory_space<hbm>>
      %dma_start3A_340 = tpu.memref_squeeze %dma_start3A_339 : memref<1x1x256x64xf32, #tpu.memory_space<hbm>> -> memref<256x64xf32, #tpu.memory_space<hbm>>
      %dma_start3A_341 = arith.constant 0 : i32
      %dma_start3A_342 = arith.constant 0 : i32
      %dma_start3A_343 = tpu.memref_slice %arg4[%add3A, %add3A_293, %dma_start3A_341, %dma_start3A_342] : memref<32x100x256x64xf32, #tpu.memory_space<hbm>> -> memref<1x1x256x64xf32, #tpu.memory_space<hbm>>
      %dma_start3A_344 = tpu.memref_squeeze %dma_start3A_343 : memref<1x1x256x64xf32, #tpu.memory_space<hbm>> -> memref<256x64xf32, #tpu.memory_space<hbm>>
      %dma_start3A_345 = arith.constant 0 : i32
      %dma_start3A_346 = arith.constant 0 : i32
      %dma_start3A_347 = tpu.memref_slice %arg6[%dma_start3A_332, %dma_start3A_345, %dma_start3A_346] : memref<4x256x64xf32, #tpu.memory_space<vmem>> -> memref<1x256x64xf32, #tpu.memory_space<vmem>>
      %dma_start3A_348 = tpu.memref_squeeze %dma_start3A_347 : memref<1x256x64xf32, #tpu.memory_space<vmem>> -> memref<256x64xf32, #tpu.memory_space<vmem>>
      tpu.enqueue_dma source(%dma_start3A_348 : memref<256x64xf32, #tpu.memory_space<vmem>>) target(%dma_start3A_344 : memref<256x64xf32, #tpu.memory_space<hbm>>) target_semaphore(%arg14 : memref<!tpu.dma_semaphore, #tpu.memory_space<semaphore_mem>>)
    }
    %scan3A_52 = arith.constant 25 : i32
    %dma_wait3A = arith.constant 2 : i32
    %dma_wait3A_53 = arith.constant 0 : i32
    %dma_wait3A_54 = arith.constant 0 : i32
    %dma_wait3A_55 = arith.constant 0 : i32
    %dma_wait3A_56 = tpu.memref_slice %arg6[%dma_wait3A, %dma_wait3A_54, %dma_wait3A_55] : memref<4x256x64xf32, #tpu.memory_space<vmem>> -> memref<1x256x64xf32, #tpu.memory_space<vmem>>
    %dma_wait3A_57 = tpu.memref_squeeze %dma_wait3A_56 : memref<1x256x64xf32, #tpu.memory_space<vmem>> -> memref<256x64xf32, #tpu.memory_space<vmem>>
    %dma_wait3A_58 = arith.constant 0 : i32
    %dma_wait3A_59 = arith.constant 0 : i32
    %dma_wait3A_60 = tpu.memref_slice %arg4[%add3A, %dma_wait3A_53, %dma_wait3A_58, %dma_wait3A_59] : memref<32x100x256x64xf32, #tpu.memory_space<hbm>> -> memref<1x1x256x64xf32, #tpu.memory_space<hbm>>
    %dma_wait3A_61 = tpu.memref_squeeze %dma_wait3A_60 : memref<1x1x256x64xf32, #tpu.memory_space<hbm>> -> memref<256x64xf32, #tpu.memory_space<hbm>>
    %dma_wait3A_62 = arith.constant 0 : i32
    %dma_wait3A_63 = arith.constant 0 : i32
    %dma_wait3A_64 = tpu.memref_slice %arg4[%add3A, %dma_wait3A_53, %dma_wait3A_62, %dma_wait3A_63] : memref<32x100x256x64xf32, #tpu.memory_space<hbm>> -> memref<1x1x256x64xf32, #tpu.memory_space<hbm>>
    %dma_wait3A_65 = tpu.memref_squeeze %dma_wait3A_64 : memref<1x1x256x64xf32, #tpu.memory_space<hbm>> -> memref<256x64xf32, #tpu.memory_space<hbm>>
    %dma_wait3A_66 = arith.constant 0 : i32
    %dma_wait3A_67 = arith.constant 0 : i32
    %dma_wait3A_68 = tpu.memref_slice %arg6[%dma_wait3A, %dma_wait3A_66, %dma_wait3A_67] : memref<4x256x64xf32, #tpu.memory_space<vmem>> -> memref<1x256x64xf32, #tpu.memory_space<vmem>>
    %dma_wait3A_69 = tpu.memref_squeeze %dma_wait3A_68 : memref<1x256x64xf32, #tpu.memory_space<vmem>> -> memref<256x64xf32, #tpu.memory_space<vmem>>
    tpu.wait_dma2 semaphore(%arg13 : memref<!tpu.dma_semaphore, #tpu.memory_space<semaphore_mem>>) src(%dma_wait3A_69 : memref<256x64xf32, #tpu.memory_space<vmem>>) dst(%dma_wait3A_65 : memref<256x64xf32, #tpu.memory_space<hbm>>)
    %dma_wait3A_70 = arith.constant 3 : i32
    %dma_wait3A_71 = arith.constant 0 : i32
    %dma_wait3A_72 = arith.constant 0 : i32
    %dma_wait3A_73 = arith.constant 0 : i32
    %dma_wait3A_74 = tpu.memref_slice %arg6[%dma_wait3A_70, %dma_wait3A_72, %dma_wait3A_73] : memref<4x256x64xf32, #tpu.memory_space<vmem>> -> memref<1x256x64xf32, #tpu.memory_space<vmem>>
    %dma_wait3A_75 = tpu.memref_squeeze %dma_wait3A_74 : memref<1x256x64xf32, #tpu.memory_space<vmem>> -> memref<256x64xf32, #tpu.memory_space<vmem>>
    %dma_wait3A_76 = arith.constant 0 : i32
    %dma_wait3A_77 = arith.constant 0 : i32
    %dma_wait3A_78 = tpu.memref_slice %arg4[%add3A, %dma_wait3A_71, %dma_wait3A_76, %dma_wait3A_77] : memref<32x100x256x64xf32, #tpu.memory_space<hbm>> -> memref<1x1x256x64xf32, #tpu.memory_space<hbm>>
    %dma_wait3A_79 = tpu.memref_squeeze %dma_wait3A_78 : memref<1x1x256x64xf32, #tpu.memory_space<hbm>> -> memref<256x64xf32, #tpu.memory_space<hbm>>
    %dma_wait3A_80 = arith.constant 0 : i32
    %dma_wait3A_81 = arith.constant 0 : i32
    %dma_wait3A_82 = tpu.memref_slice %arg4[%add3A, %dma_wait3A_71, %dma_wait3A_80, %dma_wait3A_81] : memref<32x100x256x64xf32, #tpu.memory_space<hbm>> -> memref<1x1x256x64xf32, #tpu.memory_space<hbm>>
    %dma_wait3A_83 = tpu.memref_squeeze %dma_wait3A_82 : memref<1x1x256x64xf32, #tpu.memory_space<hbm>> -> memref<256x64xf32, #tpu.memory_space<hbm>>
    %dma_wait3A_84 = arith.constant 0 : i32
    %dma_wait3A_85 = arith.constant 0 : i32
    %dma_wait3A_86 = tpu.memref_slice %arg6[%dma_wait3A_70, %dma_wait3A_84, %dma_wait3A_85] : memref<4x256x64xf32, #tpu.memory_space<vmem>> -> memref<1x256x64xf32, #tpu.memory_space<vmem>>
    %dma_wait3A_87 = tpu.memref_squeeze %dma_wait3A_86 : memref<1x256x64xf32, #tpu.memory_space<vmem>> -> memref<256x64xf32, #tpu.memory_space<vmem>>
    tpu.wait_dma2 semaphore(%arg14 : memref<!tpu.dma_semaphore, #tpu.memory_space<semaphore_mem>>) src(%dma_wait3A_87 : memref<256x64xf32, #tpu.memory_space<vmem>>) dst(%dma_wait3A_83 : memref<256x64xf32, #tpu.memory_space<hbm>>)
    return
  }
}

</mosaic_0001>

<sc_bundles>
// kernel: kernel.3.cloned.1.call-start
scs
__scs_entry_jumppad:
0x0: {  	(pc) =	sbr.rel $0x88, $3  }
0x1: {  	(tag) =	ssettag $0x0;
	lr =	simm.s32 $0x1  }
0x2: {  	[smem:$0x3F9F] =	sst lr;
	_ =	strace $0xD0000000  }
0x3: {  	_ = 	snop  }
0x4: {  	_ = 	snop  }
0x5: {  	_ = 	snop  }
0x6: {  	_ = 	snop  }
0x7: {  	_ = 	snop  }
__scs_overlays_trampoline_lowered:
0x8: {  	[smem:$0x3FAE] =	sst s0  }
0x9: {  	[smem:$0x3FAF] =	sst s1  }
0xa: {  	[smem:$0x3FB0] =	sst s2  }
0xb: {  	[smem:$0x3FB1] =	sst s3  }
0xc: {  	[smem:$0x3FB2] =	sst s4  }
0xd: {  	[smem:$0x3FB3] =	sst s5  }
0xe: {  	[smem:$0x3FB4] =	sst s6  }
0xf: {  	[smem:$0x3FB5] =	sst s7  }
0x10: {  	[smem:$0x3FB6] =	sst s8  }
0x11: {  	[smem:$0x3FB7] =	sst s9;
	s0 =	simm.s32 @!p0 $0x0  }
0x12: {  	s1 =	sld [smem:$0x3F9D];
	s0 =	simm.s32 @p0 $0x1  }
0x13: {  	[smem:$0x3FB8] =	sst s0;
	s0 =	simm.s32 @!p1 $0x0  }
0x14: {  	s2 =	sld [smem:$0x3F9C];
	s0 =	simm.s32 @p1 $0x1  }
0x15: {  	[smem:$0x3FB9] =	sst s0;
	s0 =	simm.s32 @!p2 $0x0  }
0x16: {  	s3 =	sld [smem:$0x3FDB];
	s0 =	simm.s32 @p2 $0x1  }
0x17: {  	s4 =	simm.s32 $0x1BF5;
	[smem:$0x3FBB] =	sst s0  }
0x18: {  	s0 =	sld [smem:$0x3F9E];
	_ =	swait.ge [sflag:s4], $0x0  }
0x19: {  	s7 =	sld [smem:$0x3F9F]  }
0x1a: {  	s8 =	sadd.s32 $0xFFFFE003, lr  }
0x1b: {  	s9 =	sadd.s32 $0xFFFFFEF7, lr;
	s5 =	simm.s32 $0xFFFFFFFF;
	p2 =	slt.u32 s8, $0xFFFFF086  }
0x1c: {  	p1 =	slt.u32 s9, $0xF7A;
	s5 =	simm.s32 @!p2 $0x0  }
0x1d: {  	s5 =	simm.s32 @p1 $0x1;
	p0 =	seq.s32 s7, s2  }
0x1e: {  	s7 =	smul.u32 @!p0 $0xF7A, s2;
	p2 =	seq.s32 @!p0 s5, $0x0  }
0x1f: {  	s9 =	smul.u32 $0xF7A, s1;
	s8 =	simm.s32 @!p0 $0x1BF5;
	p2 =	por !p2, p0  }
0x20: {  	[sflag:s8] =	ssyncset.s32 @!p0 $0xFFFFF086;
	s6 =	sadd.s32 @!p0 s3, s7;
	s7 =	simm.s32 @!p0 $0x108  }
0x21: {  	s3 =	sadd.s32 s3, s9;
	s6 =	sadd.s32 @!p0 $0x88, s6;
	s7 =	simm.s32 @p2 $0x1082  }
0x22: {  	[simem:s7], [sflag:s8] =	dma.local @!p0 [hbm:s6], $0xF7A  }
0x23: {  	s9 =	sor.u32 $0xD0000000, s2;
	s6 =	simm.s32 $0x108;
	_ =	swait.ge @!p0 [sflag:s8], $0x0  }
0x24: {  	s3 =	sadd.s32 $0x88, s3;
	s6 =	simm.s32 @!p1 $0x1082;
	[sflag:s4] =	ssyncset.s32 $0xFFFFF086  }
0x25: {  	[simem:s6], [sflag:s4] =	dma.local [hbm:s3], $0xF7A  }
0x26: {  	[smem:$0x3F9F] =	sst s1;
	(tag) =	ssettag s2;
	_ =	strace s9  }
0x27: {  	s1 =	sld [smem:$0x3FAF]  }
0x28: {  	s2 =	sld [smem:$0x3FB0]  }
0x29: {  	s4 =	sld [smem:$0x3FB2]  }
0x2a: {  	p0 =	seq.s32 s5, $0x0;
	s5 =	sld [smem:$0x3FB3]  }
0x2b: {  	s6 =	sld [smem:$0x3FB4]  }
0x2c: {  	s7 =	sld [smem:$0x3FB5]  }
0x2d: {  	s3 =	simm.s32 $0x108;
	s8 =	sld [smem:$0x3FB6]  }
0x2e: {  	s3 =	simm.s32 @!p0 $0x1082;
	s9 =	sld [smem:$0x3FB7]  }
0x2f: {  	lr =	sadd.s32 s0, s3;
	s0 =	sld [smem:$0x3FAE]  }
0x30: {  	s3 =	sld [smem:$0x3FB1]  }
0x31: {  	[smem:$0x3FBA] =	sst s10  }
0x32: {  	s10 =	sld [smem:$0x3FB8];
	_ =	sdelay $0x3  }
0x33: {  	p0 =	seq.s32 s10, $0x1;
	s10 =	sld [smem:$0x3FBA];
	_ =	sdelay $0x3  }
0x34: {  	[smem:$0x3FBA] =	sst s10  }
0x35: {  	s10 =	sld [smem:$0x3FB9];
	_ =	sdelay $0x3  }
0x36: {  	p1 =	seq.s32 s10, $0x1;
	s10 =	sld [smem:$0x3FBA];
	_ =	sdelay $0x3  }
0x37: {  	[smem:$0x3FBA] =	sst s10  }
0x38: {  	s10 =	sld [smem:$0x3FBB]  }
0x39: {  	_ = 	snop;
	(pc) =	sbr.ind lr, $3  }
0x3a: {  	_ = 	snop  }
0x3b: {  	_ = 	snop  }
0x3c: {  	p2 =	seq.s32 s10, $0x1;
	s10 =	sld [smem:$0x3FBA]  }
0x3d: {  	_ =	shalt  }
0x3e: {  	_ =	shalt  }
0x3f: {  	_ =	shalt  }
0x40: {  	_ =	shalt  }
0x41: {  	_ =	shalt  }
0x42: {  	_ =	shalt  }
0x43: {  	_ =	shalt  }
0x44: {  	_ =	shalt  }
0x45: {  	_ =	shalt  }
0x46: {  	_ =	shalt  }
0x47: {  	_ =	shalt  }
0x48: {  	_ =	shalt  }
0x49: {  	_ =	shalt  }
0x4a: {  	_ =	shalt  }
0x4b: {  	_ =	shalt  }
0x4c: {  	_ =	shalt  }
0x4d: {  	_ =	shalt  }
0x4e: {  	_ =	shalt  }
0x4f: {  	_ =	shalt  }
0x50: {  	_ =	shalt  }
0x51: {  	_ =	shalt  }
0x52: {  	_ =	shalt  }
0x53: {  	_ =	shalt  }
0x54: {  	_ =	shalt  }
0x55: {  	_ =	shalt  }
0x56: {  	_ =	shalt  }
0x57: {  	_ =	shalt  }
0x58: {  	_ =	shalt  }
0x59: {  	_ =	shalt  }
0x5a: {  	_ =	shalt  }
0x5b: {  	_ =	shalt  }
0x5c: {  	_ =	shalt  }
0x5d: {  	_ =	shalt  }
0x5e: {  	_ =	shalt  }
0x5f: {  	_ =	shalt  }
0x60: {  	_ =	shalt  }
0x61: {  	_ =	shalt  }
0x62: {  	_ =	shalt  }
0x63: {  	_ =	shalt  }
0x64: {  	_ =	shalt  }
0x65: {  	_ =	shalt  }
0x66: {  	_ =	shalt  }
0x67: {  	_ =	shalt  }
0x68: {  	_ =	shalt  }
0x69: {  	_ =	shalt  }
0x6a: {  	_ =	shalt  }
0x6b: {  	_ =	shalt  }
0x6c: {  	_ =	shalt  }
0x6d: {  	_ =	shalt  }
0x6e: {  	_ =	shalt  }
0x6f: {  	_ =	shalt  }
0x70: {  	_ =	shalt  }
0x71: {  	_ =	shalt  }
0x72: {  	_ =	shalt  }
0x73: {  	_ =	shalt  }
0x74: {  	_ =	shalt  }
0x75: {  	_ =	shalt  }
0x76: {  	_ =	shalt  }
0x77: {  	_ =	shalt  }
0x78: {  	_ =	shalt  }
0x79: {  	_ =	shalt  }
0x7a: {  	_ =	shalt  }
0x7b: {  	_ =	shalt  }
0x7c: {  	_ =	shalt  }
0x7d: {  	_ =	shalt  }
0x7e: {  	_ =	shalt  }
0x7f: {  	_ =	shalt  }
0x80: {  	_ =	shalt  }
0x81: {  	_ =	shalt  }
0x82: {  	_ =	shalt  }
0x83: {  	_ =	shalt  }
0x84: {  	_ =	shalt  }
0x85: {  	_ =	shalt  }
0x86: {  	_ =	shalt  }
0x87: {  	_ =	shalt  }
.Lfunc_end0:
.L_simem_size_0:
called_computation.1_lowered:
.L_overlay_start_0:
0x88: {  	s2 =	sld [smem:$0x3FD9]  }
0x89: {  	s3 =	sld [smem:$0x3FFE];
	_ =	sdelay $0x1  }
0x8a: {  	s1 =	srdreg.scid  }
0x8b: {  	s0 =	sand.u32 $0x1, s1  }
0x8c: {  	s17 =	sshll.u32 s0, $0xA;
	s2 =	sadd.s32 s3, s2  }
0x8d: {  	s2 =	sadd.s32 s2, s17  }
0x8e: {  	[smem:$0x3FC6] =	sst s2  }
0x8f: {  	_ = 	snop  }
0x90: {  	s2 =	sld [smem:$0x3FD0];
	(tm) =	ssettm $0x1  }
0x91: {  	s18 =	sld [smem:$0x3FFB];
	_ =	sdelay $0x3  }
0x92: {  	_ =	strace s18  }
0x93: {  	s3 =	sld [smem:$0x3FFC];
	_ =	sdelay $0x3  }
0x94: {  	_ =	strace s3  }
0x95: {  	s3 =	sld [smem:$0x3FFD];
	_ =	sdelay $0x3  }
0x96: {  	_ =	strace s3  }
0x97: {  	_ =	strace $0x8FFFFFFF  }
0x98: {  	s19 =	sld [smem:$0x3FDB];
	_ =	sdelay $0x1  }
0x99: {  	s4 =	simm.s32 $_scs_section_size  }
0x9a: {  	s5 =	simm.s32 $_size__tile_overlayer_lowered;
	s6 =	simm.s32 $_tile_overlayer_lowered  }
0x9b: {  	s22 =	simm.s32 $0x1BFF;
	s21 =	sshll.u32 s6, $0x1;
	s3 =	sadd.s32 s4, s19  }
0x9c: {  	s7 =	simm.s32 $0x0;
	s20 =	sshll.u32 s5, $0x1;
	s5 =	sadd.s32 s21, s3  }
0x9d: {  	[timem:s7], [sflag:s22] =	dma.local [hbm:s5], s20  }
0x9e: {  	_ =	swait.ge [sflag:s22], s20  }
0x9f: {  	s4 =	ssub.s32 $0x0, s20;
	[sflag:s22] =	ssyncset.done $0x0  }
0xa0: {  	[sflag:s22] =	ssyncadd.s32 s4;
	_ =	sdelay $0x1  }
0xa1: {  	s23 =	simm.s32 $0x1B8B  }
0xa2: {  	_ =	swait.ge [sflag:s23], $0x1  }
0xa3: {  	[sflag:s23] =	ssyncset.done $0x0  }
0xa4: {  	s25 =	simm.s32 $0x1B8E;
	s24 =	sld [smem:$0x3FFE];
	[sflag:s23] =	ssyncadd.s32 $0xFFFFFFFF  }
0xa5: {  	s26 =	simm.s32 $execute0_lowered;
	[smem:$0x3FD2] =	sst s25  }
0xa6: {  	s5 =	sshll.u32 s26, $0x1;
	_ =	strace $0x80000046;
	[dreg:$0x1] =	wrdreg $0xFFFFFFFF  }
0xa7: {  	s28 =	simm.s32 $_size_execute0_lowered;
	s3 =	sadd.s32 s3, s5;
	[dreg:$0x0] =	wrdreg $0x0  }
0xa8: {  	s5 =	sshll.u32 s28, $0x1;
	[dreg:$0x2] =	wrdreg s3  }
0xa9: {  	[dreg:$0x3] =	wrdreg s5  }
0xaa: {  	[dreg:$0x4] =	wrdreg $0xC0  }
0xab: {  	_ =	task [dreg:s7], $0x5FFFF  }
0xac: {  	[dreg:$0x1] =	wrdreg $0xFFFFFFFF  }
0xad: {  	[dreg:$0x0] =	wrdreg $0x60  }
0xae: {  	[dreg:$0x2] =	wrdreg s24  }
0xaf: {  	[dreg:$0x3] =	wrdreg s2  }
0xb0: {  	[dreg:$0x4] =	wrdreg $0x9  }
0xb1: {  	_ =	task.clear_ibuf [dreg:s7], $0x5FFFF;
	_ =	strace $0x90000046  }
0xb2: {  	s29 =	simm.s32 $0x9;
	_ =	strace $0x80000048  }
0xb3: {  	_ =	swait.ge [sflag:s29], $0x1  }
0xb4: {  	[sflag:s29] =	ssyncadd.s32 $0xFFFFFFFF  }
0xb5: {  	_ =	strace $0x90000048  }
0xb6: {  	_ =	sfence  }
0xb7: {  	s30 =	sld [smem:$0x0];
	_ =	sdelay $0x2  }
0xb8: {  	s31 =	sshll.u32 s1, $0xD;
	s1 =	sshrl.u32 s1, $0x2  }
0xb9: {  	s3 =	sand.u32 $0x4000, s31;
	s1 =	sadd.s32 s1, s30  }
0xba: {  	s0 =	sor.u32 s3, s0;
	s1 =	sshll.u32 s1, $0x11  }
0xbb: {  	s0 =	sor.u32 s1, s0  }
0xbc: {  	s0 =	sadd.s32 $0x8F2B, s0  }
0xbd: {  	[sflag:s0] =	ssyncadd.remote.s32 $0x1  }
0xbe: {  	_ =	sfence.sel $0xFFFF  }
0xbf: {  	[dreg:$0x0] =	wrdreg $0xFFFFFFFF;
	(pc) =	sbr.abs _section_cstart, $3  }
0xc0: {  	[dreg:$0x1] =	wrdreg $0xFFFFFFFF  }
0xc1: {  	_ =	task.clear_ibuf [dreg:s7], $0x2FFFF;
	_ =	strace $0x9FFFFFFF  }
0xc2: {  	(tm) =	ssettm $0x7FFFFFFF  }
0xc3: {  	_ =	shalt  }
tec
execute0_lowered:
.L_overlay_start_1:
0x0: {  	(tag) =	ssettag $0x1  }
0x1: {  	s0 =	srdreg.scid  }
0x2: {  	s4 =	stileid.u32;
	s3 =	rddreg [dreg:$0x0]  }
0x3: {  	s8 =	rddreg [dreg:$0x1];
	s2 =	simm.s32 $0x0;
	s11 =	simm.s32 $0x80  }
0x4: {  	s12 =	simm.s32 $0x6400;
	s15 =	simm.s32 $0xA400;
	s30 =	simm.s32 $0x10400  }
0x5: {  	s18 =	simm.s32 $0xE400;
	s19 =	simm.s32 $0x1;
	s20 =	simm.s32 $0x12400  }
0x6: {  	s31 =	simm.s32 $0x14400;
	s21 =	simm.s32 $0x2;
	s28 =	simm.s32 $0x8  }
0x7: {  	s29 =	simm.s32 $0x0;
	s0 =	sand.u32 $0x1, s0;
	s1 =	sshll.u32 s4, $0x1  }
0x8: {  	s4 =	smul.u32 $0x320000, s4;
	[smem:$0x7FF] =	sst s2;
	s1 =	sor.u32 s0, s1  }
0x9: {  	s5 =	smul.u32 $0x190000, s0;
	_ =	strace $0x80000047;
	s0 =	ssub.s32 $0x2, s0  }
0xa: {  	[dreg:$0x3] =	wrdreg s30;
	s1 =	smul.u32 $0xC80, s1;
	s22 =	sshrl.u32 s0, $0x1  }
0xb: {  	[dreg:$0x4] =	wrdreg s31;
	s7 =	sadd.s32 s5, s4;
	s0 =	ssub.s32 s0, s22  }
0xc: {  	s22 =	simm.s32 $0x5;
	s1 =	sadd.s32 s1, s3;
	s3 =	sadd.s32 $0xF42E00, s3  }
0xd: {  	s5 =	sor.u32 $0x4000, s7;
	s0 =	smax.u32 s0, $0x1;
	s24 =	sor.u32 $0xC000, s7  }
0xe: {  	s25 =	sshrl.u32 s7, $0x3;
	s9 =	sor.u32 $0x8000, s7;
	s1 =	sadd.s32 $0xA00, s1  }
0xf: {  	s23 =	sshrl.u32 s5, $0x3;
	[dreg:$0x6] =	wrdreg s0;
	s0 =	sshrl.u32 s24, $0x3  }
0x10: {  	s7 =	sadd.s32 s25, s8;
	s26 =	sshrl.u32 s9, $0x3;
	s24 =	simm.s32 $0x6  }
0x11: {  	s25 =	simm.s32 $0x4;
	[dreg:$0x5] =	wrdreg s1;
	s6 =	sadd.s32 s23, s8  }
0x12: {  	s16 =	sadd.s32 s0, s8;
	s9 =	sadd.s32 s26, s8;
	s23 =	simm.s32 $0x3  }
.LBB2_1:
0x13: {  	s0 =	rddreg [dreg:$0x5];
	s26 =	simm.s32 $0x9  }
0x14: {  	[tilespmem:s2], [sflag:$0x9] =	stream.linear.gather [hbm4b:s0+s2], $0x6400, $0x38;
	[tilespmem:$0x16400] =	vst v63  }
0x15: {  	_ =	swait.ge [sflag:s26], $0x6400  }
0x16: {  	[sflag:s26] =	ssyncset.done $0x0  }
0x17: {  	[sflag:s26] =	ssyncadd.s32 $0xFFFF9C00  }
0x18: {  	[tilespmem:s12], [sflag:$0x1] =	stream.indirect.gather [hbm4b:s3+s11], $0x40, s2, s11, $0xb8;
	[tilespmem:$0x16400] =	vst v63  }
0x19: {  	s1 =	simm.s32 $0x8400;
	p0 =	por $0x1, $0x1  }
0x1a: {  	[tilespmem:s1], [sflag:$0x1] =	stream.indirect.gather [hbm4b:s3+s11], $0x40, s11, s11, $0xb8;
	[tilespmem:$0x16400] =	vst v63  }
0x1b: {  	s4 =	simm.s32 $0x100;
	p0 =	por p0, p0  }
0x1c: {  	[tilespmem:s15], [sflag:$0x2] =	stream.indirect.gather [hbm4b:s3+s11], $0x40, s4, s11, $0xb8;
	[tilespmem:$0x16400] =	vst v63  }
0x1d: {  	s5 =	simm.s32 $0x180;
	s0 =	simm.s32 @!p0 $0x7;
	s1 =	simm.s32 $0xC400  }
0x1e: {  	[tilespmem:s1], [sflag:$0x2] =	stream.indirect.gather [hbm4b:s3+s11], $0x40, s5, s11, $0xb8;
	[tilespmem:$0x16400] =	vst v63  }
0x1f: {  	_ =	swait.ge @!p0 [sflag:s0], $0x4000  }
0x20: {  	[sflag:s0] =	ssyncset.done @!p0 $0x0  }
0x21: {  	s8 =	simm.s32 $0x200;
	[sflag:s0] =	ssyncadd.s32 @!p0 $0xFFFFC000  }
0x22: {  	[tilespmem:s18], [sflag:$0x3] =	stream.indirect.gather [hbm4b:s3+s11], $0x40, s8, s11, $0xb8;
	[tilespmem:$0x16400] =	vst v63  }
0x23: {  	s13 =	simm.s32 $0x280;
	s10 =	rddreg [dreg:$0x3]  }
0x24: {  	[tilespmem:s10], [sflag:$0x3] =	stream.indirect.gather [hbm4b:s3+s11], $0x40, s13, s11, $0xb8;
	[tilespmem:$0x16400] =	vst v63  }
0x25: {  	_ =	swait.ge [sflag:s19], $0x4000  }
0x26: {  	[sflag:s19] =	ssyncset.done $0x0  }
0x27: {  	s0 =	simm.s32 @!p0 $0x8;
	[sflag:s19] =	ssyncadd.s32 $0xFFFFC000  }
0x28: {  	[hbm4b:s7+s2] =	stream.linear.scatter [tilespmem:s12], [sflag:$0x5], $0x4000, $0x38;
	[tilespmem:$0x16400] =	vst v63  }
0x29: {  	_ =	swait.ge @!p0 [sflag:s0], $0x4000  }
0x2a: {  	[sflag:s0] =	ssyncset.done @!p0 $0x0  }
0x2b: {  	s14 =	simm.s32 $0x300;
	[sflag:s0] =	ssyncadd.s32 @!p0 $0xFFFFC000  }
0x2c: {  	[tilespmem:s20], [sflag:$0x4] =	stream.indirect.gather [hbm4b:s3+s11], $0x40, s14, s11, $0xb8;
	[tilespmem:$0x16400] =	vst v63  }
0x2d: {  	s26 =	simm.s32 $0x380;
	s17 =	rddreg [dreg:$0x4]  }
0x2e: {  	[tilespmem:s17], [sflag:$0x4] =	stream.indirect.gather [hbm4b:s3+s11], $0x40, s26, s11, $0xb8;
	[tilespmem:$0x16400] =	vst v63  }
0x2f: {  	_ =	swait.ge [sflag:s21], $0x4000  }
0x30: {  	[sflag:s21] =	ssyncset.done $0x0  }
0x31: {  	[sflag:s21] =	ssyncadd.s32 $0xFFFFC000  }
0x32: {  	[hbm4b:s6+s2] =	stream.linear.scatter [tilespmem:s15], [sflag:$0x6], $0x4000, $0x38;
	[tilespmem:$0x16400] =	vst v63  }
0x33: {  	p0 =	por $0x0, $0x0;
	_ =	swait.ge [sflag:s22], $0x4000  }
0x34: {  	s0 =	simm.s32 @!p0 $0x6400;
	[sflag:s22] =	ssyncset.done $0x0  }
0x35: {  	s1 =	simm.s32 @!p0 $0x400;
	s8 =	simm.s32 @!p0 $0x80;
	[sflag:s22] =	ssyncadd.s32 $0xFFFFC000  }
0x36: {  	[tilespmem:s0], [sflag:$0x1] =	stream.indirect.gather @!p0 [hbm4b:s3+s8], $0x40, s1, s8, $0xb8;
	[tilespmem:$0x16400] =	vst v63  }
0x37: {  	s0 =	simm.s32 @!p0 $0x480;
	s1 =	simm.s32 @!p0 $0x8400  }
0x38: {  	[tilespmem:s1], [sflag:$0x1] =	stream.indirect.gather @!p0 [hbm4b:s3+s8], $0x40, s0, s8, $0xb8;
	[tilespmem:$0x16400] =	vst v63  }
0x39: {  	_ =	swait.ge [sflag:s23], $0x4000  }
0x3a: {  	[sflag:s23] =	ssyncset.done $0x0  }
0x3b: {  	[sflag:s23] =	ssyncadd.s32 $0xFFFFC000  }
0x3c: {  	[hbm4b:s9+s2] =	stream.linear.scatter [tilespmem:s18], [sflag:$0x7], $0x4000, $0x38;
	[tilespmem:$0x16400] =	vst v63  }
0x3d: {  	_ =	swait.ge [sflag:s24], $0x4000  }
0x3e: {  	p1 =	por $0x0, $0x0;
	s30 =	sadd.s32 $0x2000, s16;
	[sflag:s24] =	ssyncset.done $0x0  }
0x3f: {  	s13 =	simm.s32 @!p0 $0xA400;
	s0 =	simm.s32 @!p0 $0x500;
	[sflag:s24] =	ssyncadd.s32 $0xFFFFC000  }
0x40: {  	[tilespmem:s13], [sflag:$0x2] =	stream.indirect.gather @!p0 [hbm4b:s3+s8], $0x40, s0, s8, $0xb8;
	[tilespmem:$0x16400] =	vst v63  }
0x41: {  	s31 =	sadd.s32 $0x2000, s9;
	s0 =	simm.s32 @!p0 $0x580;
	s13 =	simm.s32 @!p0 $0xC400  }
0x42: {  	[tilespmem:s13], [sflag:$0x2] =	stream.indirect.gather @!p0 [hbm4b:s3+s8], $0x40, s0, s8, $0xb8;
	[tilespmem:$0x16400] =	vst v63  }
0x43: {  	s14 =	simm.s32 $0x2000;
	s1 =	simm.s32 $0x1000;
	_ =	swait.ge [sflag:s25], $0x4000  }
0x44: {  	p0 =	por p1, p1;
	s0 =	sadd.s32 $0x2000, s6;
	[sflag:s25] =	ssyncset.done $0x0  }
0x45: {  	s13 =	sadd.s32 $0x2000, s7;
	s8 =	smov.u32 s16;
	[sflag:s25] =	ssyncadd.s32 $0xFFFFC000  }
.LBB2_2:
0x46: {  	[hbm4b:s8+s2] =	stream.linear.scatter [tilespmem:s20], [sflag:$0x8], $0x4000, $0x38;
	[tilespmem:$0x16400] =	vst v63  }
0x47: {  	s4 =	simm.s32 @!p0 $0x7  }
0x48: {  	_ =	swait.ge @!p0 [sflag:s4], $0x4000  }
0x49: {  	s5 =	sshra.s32 s1, $0x2;
	[sflag:s4] =	ssyncset.done @!p0 $0x0  }
0x4a: {  	s26 =	sadd.s32 $0x200, s5;
	[sflag:s4] =	ssyncadd.s32 @!p0 $0xFFFFC000  }
0x4b: {  	[tilespmem:s18], [sflag:$0x3] =	stream.indirect.gather [hbm4b:s3+s11], $0x40, s26, s11, $0xb8;
	[tilespmem:$0x16400] =	vst v63  }
0x4c: {  	s10 =	rddreg [dreg:$0x3];
	s26 =	sadd.s32 $0x280, s5  }
0x4d: {  	[tilespmem:s10], [sflag:$0x3] =	stream.indirect.gather [hbm4b:s3+s11], $0x40, s26, s11, $0xb8;
	[tilespmem:$0x16400] =	vst v63  }
0x4e: {  	_ =	swait.ge [sflag:s19], $0x4000  }
0x4f: {  	[sflag:s19] =	ssyncset.done $0x0  }
0x50: {  	s4 =	simm.s32 @!p0 $0x8;
	[sflag:s19] =	ssyncadd.s32 $0xFFFFC000  }
0x51: {  	[hbm4b:s13+s2] =	stream.linear.scatter [tilespmem:s12], [sflag:$0x5], $0x4000, $0x38;
	[tilespmem:$0x16400] =	vst v63  }
0x52: {  	_ =	swait.ge @!p0 [sflag:s4], $0x4000  }
0x53: {  	[sflag:s4] =	ssyncset.done @!p0 $0x0  }
0x54: {  	s26 =	sadd.s32 $0x300, s5;
	[sflag:s4] =	ssyncadd.s32 @!p0 $0xFFFFC000  }
0x55: {  	[tilespmem:s20], [sflag:$0x4] =	stream.indirect.gather [hbm4b:s3+s11], $0x40, s26, s11, $0xb8;
	[tilespmem:$0x16400] =	vst v63  }
0x56: {  	s10 =	rddreg [dreg:$0x4];
	s26 =	sadd.s32 $0x380, s5  }
0x57: {  	[tilespmem:s10], [sflag:$0x4] =	stream.indirect.gather [hbm4b:s3+s11], $0x40, s26, s11, $0xb8;
	[tilespmem:$0x16400] =	vst v63  }
0x58: {  	_ =	swait.ge [sflag:s21], $0x4000  }
0x59: {  	s17 =	smov.u32 s14;
	[sflag:s21] =	ssyncset.done $0x0  }
0x5a: {  	p2 =	seq.s32 s17, $0x0;
	[sflag:s21] =	ssyncadd.s32 $0xFFFFC000  }
0x5b: {  	[hbm4b:s0+s2] =	stream.linear.scatter [tilespmem:s15], [sflag:$0x6], $0x4000, $0x38;
	[tilespmem:$0x16400] =	vst v63  }
0x5c: {  	p0 =	por p2, p2;
	p2 =	seq.s32 s1, $0x18000;
	_ =	swait.ge [sflag:s22], $0x4000  }
0x5d: {  	s1 =	sshra.s32 @!p2 s1, $0x2;
	s4 =	simm.s32 @!p2 $0x6400;
	[sflag:s22] =	ssyncset.done $0x0  }
0x5e: {  	s5 =	sadd.s32 @!p2 $0x400, s1;
	s10 =	simm.s32 @!p2 $0x80;
	[sflag:s22] =	ssyncadd.s32 $0xFFFFC000  }
0x5f: {  	[tilespmem:s4], [sflag:$0x1] =	stream.indirect.gather @!p2 [hbm4b:s3+s10], $0x40, s5, s10, $0xb8;
	[tilespmem:$0x16400] =	vst v63  }
0x60: {  	s4 =	sadd.s32 @!p2 $0x480, s1;
	s5 =	simm.s32 @!p2 $0x8400  }
0x61: {  	[tilespmem:s5], [sflag:$0x1] =	stream.indirect.gather @!p2 [hbm4b:s3+s10], $0x40, s4, s10, $0xb8;
	[tilespmem:$0x16400] =	vst v63  }
0x62: {  	_ =	swait.ge [sflag:s23], $0x4000  }
0x63: {  	[sflag:s23] =	ssyncset.done $0x0  }
0x64: {  	[sflag:s23] =	ssyncadd.s32 $0xFFFFC000  }
0x65: {  	[hbm4b:s31+s2] =	stream.linear.scatter [tilespmem:s18], [sflag:$0x7], $0x4000, $0x38;
	[tilespmem:$0x16400] =	vst v63  }
0x66: {  	s14 =	sadd.s32 $0x1000, s14;
	_ =	swait.ge [sflag:s24], $0x4000  }
0x67: {  	p1 =	sne.s32 s14, $0x19000;
	[sflag:s24] =	ssyncset.done $0x0  }
0x68: {  	s26 =	sadd.s32 @!p2 $0x500, s1;
	s5 =	simm.s32 @!p2 $0xA400;
	[sflag:s24] =	ssyncadd.s32 $0xFFFFC000  }
0x69: {  	[tilespmem:s5], [sflag:$0x2] =	stream.indirect.gather @!p2 [hbm4b:s3+s10], $0x40, s26, s10, $0xb8;
	[tilespmem:$0x16400] =	vst v63  }
.Ltmp0:
0x6a: {  	s4 =	sadd.s32 @!p2 $0x580, s1;
	s5 =	simm.s32 @!p2 $0xC400;
	(pc) =	sbr.rel @p1 .LBB2_2-.Ltmp0, $4  }
0x6b: {  	[tilespmem:s5], [sflag:$0x2] =	stream.indirect.gather @!p2 [hbm4b:s3+s10], $0x40, s4, s10, $0xb8;
	[tilespmem:$0x16400] =	vst v63  }
0x6c: {  	s8 =	smov.u32 s30;
	s30 =	sadd.s32 $0x2000, s30;
	_ =	swait.ge [sflag:s25], $0x4000  }
0x6d: {  	s13 =	sadd.s32 $0x2000, s13;
	s0 =	sadd.s32 $0x2000, s0;
	[sflag:s25] =	ssyncset.done $0x0  }
0x6e: {  	s1 =	smov.u32 s17;
	s31 =	sadd.s32 $0x2000, s31;
	[sflag:s25] =	ssyncadd.s32 $0xFFFFC000  }
0x6f: {  	[hbm4b:s8+s2] =	stream.linear.scatter [tilespmem:s20], [sflag:$0x8], $0x4000, $0x38;
	[tilespmem:$0x16400] =	vst v63  }
0x70: {  	s4 =	simm.s32 @!p0 $0x7  }
0x71: {  	_ =	swait.ge @!p0 [sflag:s4], $0x4000  }
0x72: {  	s5 =	sshra.s32 s1, $0x2;
	[sflag:s4] =	ssyncset.done @!p0 $0x0  }
0x73: {  	s17 =	sadd.s32 $0x200, s5;
	[sflag:s4] =	ssyncadd.s32 @!p0 $0xFFFFC000  }
0x74: {  	[tilespmem:s18], [sflag:$0x3] =	stream.indirect.gather [hbm4b:s3+s11], $0x40, s17, s11, $0xb8;
	[tilespmem:$0x16400] =	vst v63  }
0x75: {  	s10 =	sadd.s32 $0x280, s5;
	s26 =	rddreg [dreg:$0x3]  }
0x76: {  	[tilespmem:s26], [sflag:$0x3] =	stream.indirect.gather [hbm4b:s3+s11], $0x40, s10, s11, $0xb8;
	[tilespmem:$0x16400] =	vst v63  }
0x77: {  	_ =	swait.ge [sflag:s19], $0x4000  }
0x78: {  	[sflag:s19] =	ssyncset.done $0x0  }
0x79: {  	s4 =	simm.s32 @!p0 $0x8;
	[sflag:s19] =	ssyncadd.s32 $0xFFFFC000  }
0x7a: {  	[hbm4b:s13+s2] =	stream.linear.scatter [tilespmem:s12], [sflag:$0x5], $0x4000, $0x38;
	[tilespmem:$0x16400] =	vst v63  }
0x7b: {  	_ =	swait.ge @!p0 [sflag:s4], $0x4000  }
0x7c: {  	[sflag:s4] =	ssyncset.done @!p0 $0x0  }
0x7d: {  	s14 =	sadd.s32 $0x300, s5;
	[sflag:s4] =	ssyncadd.s32 @!p0 $0xFFFFC000  }
0x7e: {  	[tilespmem:s20], [sflag:$0x4] =	stream.indirect.gather [hbm4b:s3+s11], $0x40, s14, s11, $0xb8;
	[tilespmem:$0x16400] =	vst v63  }
0x7f: {  	s26 =	sadd.s32 $0x380, s5;
	s17 =	rddreg [dreg:$0x4]  }
0x80: {  	[tilespmem:s17], [sflag:$0x4] =	stream.indirect.gather [hbm4b:s3+s11], $0x40, s26, s11, $0xb8;
	[tilespmem:$0x16400] =	vst v63  }
0x81: {  	_ =	swait.ge [sflag:s21], $0x4000  }
0x82: {  	[sflag:s21] =	ssyncset.done $0x0  }
0x83: {  	[sflag:s21] =	ssyncadd.s32 $0xFFFFC000  }
0x84: {  	[hbm4b:s0+s2] =	stream.linear.scatter [tilespmem:s15], [sflag:$0x6], $0x4000, $0x38;
	[tilespmem:$0x16400] =	vst v63  }
0x85: {  	p0 =	seq.s32 s1, $0x18000;
	_ =	swait.ge [sflag:s22], $0x4000  }
0x86: {  	s5 =	simm.s32 @!p0 $0x80;
	s0 =	sshra.s32 @!p0 s1, $0x2;
	[sflag:s22] =	ssyncset.done $0x0  }
0x87: {  	s1 =	simm.s32 @!p0 $0x6400;
	s4 =	sadd.s32 @!p0 $0x400, s0;
	[sflag:s22] =	ssyncadd.s32 $0xFFFFC000  }
0x88: {  	[tilespmem:s1], [sflag:$0x1] =	stream.indirect.gather @!p0 [hbm4b:s3+s5], $0x40, s4, s5, $0xb8;
	[tilespmem:$0x16400] =	vst v63  }
0x89: {  	s1 =	sadd.s32 @!p0 $0x480, s0;
	s4 =	simm.s32 @!p0 $0x8400  }
0x8a: {  	[tilespmem:s4], [sflag:$0x1] =	stream.indirect.gather @!p0 [hbm4b:s3+s5], $0x40, s1, s5, $0xb8;
	[tilespmem:$0x16400] =	vst v63  }
0x8b: {  	_ =	swait.ge [sflag:s23], $0x4000  }
0x8c: {  	[sflag:s23] =	ssyncset.done $0x0  }
0x8d: {  	[sflag:s23] =	ssyncadd.s32 $0xFFFFC000  }
0x8e: {  	[hbm4b:s31+s2] =	stream.linear.scatter [tilespmem:s18], [sflag:$0x7], $0x4000, $0x38;
	[tilespmem:$0x16400] =	vst v63  }
0x8f: {  	_ =	swait.ge [sflag:s24], $0x4000  }
0x90: {  	[sflag:s24] =	ssyncset.done $0x0  }
0x91: {  	s1 =	sadd.s32 @!p0 $0x500, s0;
	s4 =	simm.s32 @!p0 $0xA400;
	[sflag:s24] =	ssyncadd.s32 $0xFFFFC000  }
0x92: {  	[tilespmem:s4], [sflag:$0x2] =	stream.indirect.gather @!p0 [hbm4b:s3+s5], $0x40, s1, s5, $0xb8;
	[tilespmem:$0x16400] =	vst v63  }
0x93: {  	s0 =	sadd.s32 @!p0 $0x580, s0;
	s1 =	simm.s32 @!p0 $0xC400  }
0x94: {  	[tilespmem:s1], [sflag:$0x2] =	stream.indirect.gather @!p0 [hbm4b:s3+s5], $0x40, s0, s5, $0xb8;
	[tilespmem:$0x16400] =	vst v63  }
0x95: {  	_ =	swait.ge [sflag:s25], $0x4000  }
0x96: {  	[sflag:s25] =	ssyncset.done $0x0  }
0x97: {  	[sflag:s25] =	ssyncadd.s32 $0xFFFFC000  }
0x98: {  	[hbm4b:s30+s2] =	stream.linear.scatter [tilespmem:s20], [sflag:$0x8], $0x4000, $0x38;
	[tilespmem:$0x16400] =	vst v63  }
0x99: {  	s30 =	simm.s32 $0x7  }
0x9a: {  	_ =	swait.ge [sflag:s30], $0x4000  }
0x9b: {  	[sflag:s30] =	ssyncset.done $0x0  }
0x9c: {  	[sflag:s30] =	ssyncadd.s32 $0xFFFFC000  }
0x9d: {  	_ =	swait.ge [sflag:s28], $0x4000  }
0x9e: {  	s29 =	sadd.s32 $0x1, s29;
	s31 =	rddreg [dreg:$0x6]  }
0x9f: {  	p0 =	sne.s32 s29, s31  }
.Ltmp1:
0xa0: {  	_ = 	snop;
	(pc) =	sbr.rel @p0 .LBB2_1-.Ltmp1, $3  }
0xa1: {  	_ =	sdelay $0x1  }
0xa2: {  	[sflag:s28] =	ssyncset.done $0x0  }
0xa3: {  	[sflag:s28] =	ssyncadd.s32 $0xFFFFC000  }
0xa4: {  	_ =	sfence.sel $0x180000  }
0xa5: {  	[bflag:$0x0] =	sbarrier.arrive $0xFFFF  }
0xa6: {  	_ =	strace $0x90000047  }
0xa7: {  	s0 =	stileid.u32;
	[bflag:$0x2] =	sbarrier.arrive $0xFFFF  }
0xa8: {  	p0 =	sne.s32 s0, $0x0;
	s0 =	rddreg [dreg:$0x2]  }
0xa9: {  	s0 =	sadd.s32 @!p0 $0x100000, s0  }
0xaa: {  	[sflag:s0] =	ssyncadd.tile.s32 @!p0 $0x1;
	_ =	shalt  }
.Lfunc_end2:
_tile_overlayer_lowered:
.L_overlay_start_2:
0xab: {  	(tag) =	ssettag $0x2  }
0xac: {  	s0 =	rddreg [dreg:$0x0];
	s2 =	stileid.u32  }
0xad: {  	s1 =	rddreg [dreg:$0x1];
	p0 =	sne.s32 s2, $0x0  }
0xae: {  	s3 =	rddreg [dreg:$0x2];
	[bflag:$0x3] =	sbarrier.arrive $0xFFFF;
	s2 =	simm.s32 @!p0 $0x1C09  }
0xaf: {  	[timem:s3], [sflag:s2] =	dma.local @!p0 [hbm:s0], s1  }
0xb0: {  	s0 =	simm.s32 @!p0 $0x9  }
0xb1: {  	_ =	swait.ge @!p0 [sflag:s0], s1  }
0xb2: {  	s1 =	ssub.s32 @!p0 $0x0, s1;
	[sflag:s0] =	ssyncset.done @!p0 $0x0  }
0xb3: {  	[sflag:s0] =	ssyncadd.s32 @!p0 s1  }
0xb4: {  	[bflag:$0x3] =	sbarrier.arrive $0xFFFF  }
0xb5: {  	_ =	shalt  }

// kernel: sparse-core-data-format-call.cloned.1.call-start
scs
called_computation_lowered:
.L_overlay_start_0:
0x0: {  	s2 =	sld [smem:$0x3FD9]  }
0x1: {  	s3 =	sld [smem:$0x3FFE];
	_ =	sdelay $0x1  }
0x2: {  	s1 =	srdreg.scid  }
0x3: {  	s0 =	sand.u32 $0x1, s1  }
0x4: {  	s18 =	sshll.u32 s0, $0xA;
	s2 =	sadd.s32 s3, s2  }
0x5: {  	s2 =	sadd.s32 s2, s18  }
0x6: {  	[smem:$0x3FC6] =	sst s2  }
0x7: {  	_ = 	snop  }
0x8: {  	s2 =	sld [smem:$0x3FD0];
	(tm) =	ssettm $0x1  }
0x9: {  	s19 =	sld [smem:$0x3FFB];
	_ =	sdelay $0x3  }
0xa: {  	_ =	strace s19  }
0xb: {  	s3 =	sld [smem:$0x3FFC];
	_ =	sdelay $0x3  }
0xc: {  	_ =	strace s3  }
0xd: {  	s3 =	sld [smem:$0x3FFD];
	_ =	sdelay $0x3  }
0xe: {  	_ =	strace s3  }
0xf: {  	_ =	strace $0x8FFFFFFF  }
0x10: {  	s20 =	sld [smem:$0x3FDB];
	_ =	sdelay $0x1  }
0x11: {  	s4 =	simm.s32 $_scs_section_size  }
0x12: {  	s5 =	simm.s32 $_size__tile_overlayer_lowered;
	s6 =	simm.s32 $_tile_overlayer_lowered  }
0x13: {  	s23 =	simm.s32 $0x1BFF;
	s22 =	sshll.u32 s6, $0x1;
	s3 =	sadd.s32 s4, s20  }
0x14: {  	s7 =	simm.s32 $0x0;
	s21 =	sshll.u32 s5, $0x1;
	s5 =	sadd.s32 s22, s3  }
0x15: {  	[timem:s7], [sflag:s23] =	dma.local [hbm:s5], s21  }
0x16: {  	_ =	swait.ge [sflag:s23], s21  }
0x17: {  	s4 =	ssub.s32 $0x0, s21;
	[sflag:s23] =	ssyncset.done $0x0  }
0x18: {  	[sflag:s23] =	ssyncadd.s32 s4;
	_ =	sdelay $0x1  }
0x19: {  	s24 =	simm.s32 $0x1B8B  }
0x1a: {  	_ =	swait.ge [sflag:s24], $0x1  }
0x1b: {  	[sflag:s24] =	ssyncset.done $0x0  }
0x1c: {  	s26 =	simm.s32 $0x1B8E;
	s25 =	sld [smem:$0x3FFE];
	[sflag:s24] =	ssyncadd.s32 $0xFFFFFFFF  }
0x1d: {  	s27 =	simm.s32 $execute0_lowered;
	[smem:$0x3FD2] =	sst s26  }
0x1e: {  	s5 =	sshll.u32 s27, $0x1;
	_ =	strace $0x80000049;
	[dreg:$0x1] =	wrdreg $0xFFFFFFFF  }
0x1f: {  	s28 =	simm.s32 $_size_execute0_lowered;
	s3 =	sadd.s32 s3, s5;
	[dreg:$0x0] =	wrdreg $0x0  }
0x20: {  	s5 =	sshll.u32 s28, $0x1;
	[dreg:$0x2] =	wrdreg s3  }
0x21: {  	[dreg:$0x3] =	wrdreg s5  }
0x22: {  	[dreg:$0x4] =	wrdreg $0xC0  }
0x23: {  	_ =	task [dreg:s7], $0x5FFFF  }
0x24: {  	[dreg:$0x1] =	wrdreg $0xFFFFFFFF  }
0x25: {  	[dreg:$0x0] =	wrdreg $0x60  }
0x26: {  	[dreg:$0x2] =	wrdreg s25  }
0x27: {  	[dreg:$0x3] =	wrdreg s2  }
0x28: {  	[dreg:$0x4] =	wrdreg $0x9  }
0x29: {  	_ =	task.clear_ibuf [dreg:s7], $0x5FFFF;
	_ =	strace $0x90000049  }
0x2a: {  	s29 =	simm.s32 $0x9;
	_ =	strace $0x8000004B  }
0x2b: {  	_ =	swait.ge [sflag:s29], $0x1  }
0x2c: {  	[sflag:s29] =	ssyncadd.s32 $0xFFFFFFFF  }
0x2d: {  	_ =	strace $0x9000004B  }
0x2e: {  	_ =	sfence  }
0x2f: {  	s30 =	sld [smem:$0x0];
	_ =	sdelay $0x2  }
0x30: {  	s31 =	sshll.u32 s1, $0xD;
	s1 =	sshrl.u32 s1, $0x2  }
0x31: {  	s3 =	sand.u32 $0x4000, s31;
	s1 =	sadd.s32 s1, s30  }
0x32: {  	s0 =	sor.u32 s3, s0;
	s1 =	sshll.u32 s1, $0x11  }
0x33: {  	s0 =	sor.u32 s1, s0  }
0x34: {  	s0 =	sadd.s32 $0x8F2B, s0  }
0x35: {  	[sflag:s0] =	ssyncadd.remote.s32 $0x1  }
0x36: {  	_ =	sfence.sel $0xFFFF  }
0x37: {  	[dreg:$0x0] =	wrdreg $0xFFFFFFFF;
	(pc) =	sbr.abs _section_cstart, $3  }
0x38: {  	[dreg:$0x1] =	wrdreg $0xFFFFFFFF  }
0x39: {  	_ =	task.clear_ibuf [dreg:s7], $0x2FFFF;
	_ =	strace $0x9FFFFFFF  }
0x3a: {  	(tm) =	ssettm $0x7FFFFFFF  }
0x3b: {  	_ =	shalt  }
tec
execute0_lowered:
.L_overlay_start_1:
0x0: {  	(tag) =	ssettag $0x1  }
0x1: {  	s0 =	srdreg.scid  }
0x2: {  	s1 =	sshll.u32 s0, $0x4  }
0x3: {  	s0 =	stileid.u32;
	s1 =	sand.u32 $0x10, s1  }
0x4: {  	s1 =	sor.u32 s0, s1  }
0x5: {  	s6 =	rddreg [dreg:$0x0];
	s4 =	simm.s32 $0x1;
	s2 =	sshll.u32 s1, $0x7  }
0x6: {  	s7 =	simm.s32 $0x2;
	s12 =	simm.s32 $0x0;
	s1 =	ssub.s32 $0x4000, s2  }
0x7: {  	s8 =	simm.s32 $0x20000;
	s13 =	simm.s32 $0x0;
	s3 =	sand.u32 $0xF80, s1  }
0x8: {  	s9 =	simm.s32 $0x0;
	s5 =	sshrl.u32 s1, $0xC;
	p0 =	sne.s32 s3, $0x0  }
.Ltmp0:
0x9: {  	s1 =	rddreg [dreg:$0x2];
	s4 =	simm.s32 @!p0 $0x0;
	(pc) =	sbr.rel .LBB1_1-.Ltmp0, $4  }
0xa: {  	s11 =	simm.s32 $0x0;
	s3 =	rddreg [dreg:$0x1];
	s5 =	sadd.s32 s4, s5  }
0xb: {  	_ =	strace $0x8000004A;
	s4 =	simm.s32 $0x1;
	s5 =	smul.u32 $0x32, s5  }
0xc: {  	s6 =	sadd.s32 $0xA00, s6;
	s10 =	smov.u32 s2;
	[sflag:s4] =	ssyncpa.u1 $0x0  }
0xd: {  	p0 =	por $0x0, $0x0;
	[sflag:s7] =	ssyncpa.u1 $0x0;
	s7 =	sor.u32 $0x1, s5  }
.LBB1_4:
0xe: {  	s16 =	sshll.u32 s13, $0x3;
	s17 =	sand.u32 $0x78, s13  }
0xf: {  	s30 =	sand.u32 $0x1F800, s13;
	s12 =	sshll.u32 s12, $0x11;
	s16 =	sand.u32 $0x3C00, s16  }
0x10: {  	[tilespmem:s15+$0x810 ss:$0x81] =	vst.msk $0xffff, v2;
	s31 =	sand.u32 $0x7, s13;
	s16 =	sor.u32 s17, s16;
	s17 =	sadd.s32 s3, s30  }
0x11: {  	[tilespmem:s15+$0x1020 ss:$0x81] =	vst.msk $0xffff, v0;
	s13 =	sshll.u32 s31, $0x12;
	s12 =	sadd.s32 s12, s17;
	s16 =	sshrl.u32 s16, $0x3  }
0x12: {  	[tilespmem:s15+$0x0 ss:$0x81] =	vst.msk $0xffff, v1;
	s13 =	sor.u32 $0x400, s13;
	s12 =	sadd.s32 s16, s12  }
0x13: {  	[hbm4b:s12+s13] =	stream.strided.scatter [tilespmem:s14], [sflag:$0x2], $0x2000, s8, s13, $0x20;
	[tilespmem:$0x8080] =	vst v63  }
.LBB1_5:
0x14: {  	s14 =	sadd.s32 $0x1, s9  }
0x15: {  	s12 =	sadd.s32 $0x1000, s10;
	s16 =	smov.u32 s10;
	p2 =	sgt.s32 s14, $0x31  }
0x16: {  	s16 =	smov.u32 @p2 s12  }
0x17: {  	s14 =	simm.s32 @p2 $0x0;
	p2 =	sgt.s32 s16, $0x3FFF  }
0x18: {  	s16 =	smov.u32 @p2 s2;
	p2 =	sne.s32 s11, s7  }
.Ltmp1:
0x19: {  	p1 =	slt.u32 s11, $0x2;
	(pc) =	sbr.rel @!p2 .LBB1_6-.Ltmp1, $4  }
0x1a: {  	s15 =	simm.s32 @!p1 $0x2  }
0x1b: {  	s13 =	smov.u32 s10;
	p0 =	por !p0, !p0;
	_ =	swait.ge @!p1 [sflag:s15], $0x2000  }
0x1c: {  	s12 =	smov.u32 s9;
	[sflag:s15] =	ssyncset.done @!p1 $0x0;
	s9 =	smov.u32 s14  }
0x1d: {  	s11 =	sadd.s32 $0x1, s11;
	[sflag:s15] =	ssyncadd.s32 @!p1 $0xFFFFE000;
	s10 =	smov.u32 s16  }
.LBB1_1:
0x1e: {  	p1 =	sge.u32 s11, s5  }
0x1f: {  	s14 =	sand.u32 @!p1 $0x1FFFFFF, s9  }
0x20: {  	s15 =	smulhi.u32 @!p1 $0x4924925, s14;
	_ =	sdelay $0x1  }
0x21: {  	s15 =	smul.u32 @!p1 $0x38, s15  }
0x22: {  	s16 =	sxor.u32 @!p1 $0xFFFFFFFF, s11;
	s17 =	smul.u32 @!p1 $0x380, s10  }
0x23: {  	s31 =	sadd.s32 $0xFFFFFFFF, s11;
	s16 =	sshll.u32 @!p1 s16, $0xD;
	s14 =	ssub.s32 @!p1 s14, s15  }
0x24: {  	s15 =	sand.u32 @!p1 $0x2000, s16;
	s16 =	sadd.s32 @!p1 s6, s17;
	s14 =	sshll.u32 @!p1 s14, $0x4  }
0x25: {  	s17 =	simm.s32 @!p1 $0x1C00;
	s14 =	sadd.s32 @!p1 s14, s16;
	s16 =	simm.s32 @!p1 $0x40  }
0x26: {  	[tilespmem:s15], [sflag:$0x1] =	stream.strided.gather @!p1 [hbm4b:s14+s16], $0x2000, s17, s16, $0x38;
	[tilespmem:$0x8080] =	vst v63  }
0x27: {  	p1 =	sge.u32 s31, s5  }
.Ltmp2:
0x28: {  	_ = 	snop;
	(pc) =	sbr.rel @p1 .LBB1_5-.Ltmp2, $1  }
0x29: {  	_ =	sdelay $0x3  }
0x2a: {  	s14 =	simm.s32 $0x1  }
0x2b: {  	_ =	swait.ge [sflag:s4], $0x2000;
	s14 =	simm.s32 @!p0 $0x0  }
0x2c: {  	[sflag:s4] =	ssyncset.done $0x0;
	s15 =	sshll.u32 s14, $0xD  }
0x2d: {  	[sflag:s4] =	ssyncadd.s32 $0xFFFFE000;
	s18 =	sor.u32 $0x20, s15  }
0x2e: {  	s14 =	smul.u32 $0x8100, s14;
	v3 =	vld [tilespmem:s18+$0x10]  }
0x2f: {  	s30 =	sand.u32 $0x1, s11;
	v2 =	vld [tilespmem:s18+$0xFFFFFFF0]  }
0x30: {  	s15 =	smul.u32 $0x8100, s30;
	s14 =	sshrl.u32 s14, $0x2;
	v0 =	vld [tilespmem:s18+$0x0]  }
0x31: {  	v1 =	vld [tilespmem:s18+$0xFFFFFFE0];
	s16 =	sor.u32 $0x4000, s14  }
0x32: {  	s31 =	sshrl.u32 s15, $0x2;
	s15 =	sadd.s32 $0x0, s16  }
0x33: {  	s17 =	simm.s32 $0x4;
	s18 =	sadd.s32 $0x40, s18;
	s14 =	sor.u32 $0x4000, s31;
	[tilespmem:s15+$0x1830 ss:$0x81] =	vst.msk $0xffff, v3  }
.LBB1_3:
0x34: {  	v3 =	vld [tilespmem:s18+$0x10];
	p1 =	sne.s32 s17, $0x1FC;
	[tilespmem:s15+$0x810 ss:$0x81] =	vst.msk $0xffff, v2;
	s19 =	smov.u32 s17;
	s17 =	sadd.s32 $0x4, s17  }
.Ltmp3:
0x35: {  	v2 =	vld [tilespmem:s18+$0xFFFFFFF0];
	[tilespmem:s15+$0x1020 ss:$0x81] =	vst.msk $0xffff, v0;
	(pc) =	sbr.rel @p1 .LBB1_3-.Ltmp3, $4  }
0x36: {  	v0 =	vld [tilespmem:s18+$0x0];
	[tilespmem:s15+$0x0 ss:$0x81] =	vst.msk $0xffff, v1  }
0x37: {  	s15 =	sshra.s32 s19, $0x2;
	v1 =	vld [tilespmem:s18+$0xFFFFFFE0]  }
0x38: {  	s15 =	sadd.s32 s15, s16  }
0x39: {  	s18 =	sadd.s32 $0x40, s18;
	[tilespmem:s15+$0x1830 ss:$0x81] =	vst.msk $0xffff, v3  }
.Ltmp4:
0x3a: {  	_ = 	snop;
	(pc) =	sbr.rel .LBB1_4-.Ltmp4, $1  }
0x3b: {  	_ =	sdelay $0x3  }
.LBB1_6:
0x3c: {  	_ =	sfence.sel $0x180000  }
0x3d: {  	s2 =	simm.s32 $0x1;
	[bflag:$0x0] =	sbarrier.arrive $0xFFFF  }
0x3e: {  	s31 =	simm.s32 $0x2;
	[sflag:s2] =	ssyncpa.u1 $0x1  }
0x3f: {  	[sflag:s31] =	ssyncpa.u1 $0x1  }
0x40: {  	p0 =	sne.s32 s0, $0x0;
	_ =	strace $0x9000004A  }
0x41: {  	s0 =	sadd.s32 @!p0 $0x100000, s1;
	[bflag:$0x2] =	sbarrier.arrive $0xFFFF  }
0x42: {  	[sflag:s0] =	ssyncadd.tile.s32 @!p0 $0x1;
	_ =	shalt  }
.Lfunc_end1:
_tile_overlayer_lowered:
.L_overlay_start_2:
0x43: {  	(tag) =	ssettag $0x2  }
0x44: {  	s0 =	rddreg [dreg:$0x0];
	s2 =	stileid.u32  }
0x45: {  	s1 =	rddreg [dreg:$0x1];
	p0 =	sne.s32 s2, $0x0  }
0x46: {  	s3 =	rddreg [dreg:$0x2];
	[bflag:$0x3] =	sbarrier.arrive $0xFFFF;
	s2 =	simm.s32 @!p0 $0x1C01  }
0x47: {  	[timem:s3], [sflag:s2] =	dma.local @!p0 [hbm:s0], s1  }
0x48: {  	s0 =	simm.s32 @!p0 $0x1  }
0x49: {  	_ =	swait.ge @!p0 [sflag:s0], s1  }
0x4a: {  	s1 =	ssub.s32 @!p0 $0x0, s1;
	[sflag:s0] =	ssyncset.done @!p0 $0x0  }
0x4b: {  	[sflag:s0] =	ssyncadd.s32 @!p0 s1  }
0x4c: {  	[bflag:$0x3] =	sbarrier.arrive $0xFFFF  }
0x4d: {  	_ =	shalt  }

</sc_bundles>
